<compile_context>
chip_gen: v7x
topology: tpu7x:2x2x1
jax: 0.10.2.dev20260603
libtpu: 0.0.44.dev20260713+nightly
codegen_flags: <defaults>
</compile_context>

<pallas_src>
import functools

import jax
import jax.numpy as jnp
from jax import lax
from jax.experimental import pallas as pl
from jax.experimental.pallas import tpu as pltpu
from jax.experimental.pallas import tpu_sc as plsc

N = 10000
E = 320000
D = 128
NC = 2
NS = 16
L = 16
NW = NC * NS
EPW = E // NW
NPAD = 10240
RPT = NPAD // NS
CHW = 128
NCHW = 80
NPAIR = NCHW // 2
EPAD = NW * NCHW * CHW

_mesh = plsc.VectorSubcoreMesh(core_axis_name="c", subcore_axis_name="s")
_sc_params = pltpu.CompilerParams(needs_layout_passes=False)


def _zero_ref(ref, nwords):
    z = jnp.zeros((L,), jnp.float32)

    def body(i, c):
        ref[pl.ds(i * L, L)] = z
        return c

    lax.fori_loop(0, nwords // L, body, 0)


def _reduce_tiles(shared, tmp2_v, red_v, sid):
    pltpu.sync_copy(shared.at[:, pl.ds(sid * RPT, RPT)], tmp2_v)

    def body(i, c):
        o = i * L
        acc16 = tmp2_v[0, pl.ds(o, L)]
        for k in range(1, NS):
            acc16 = acc16 + tmp2_v[k, pl.ds(o, L)]
        red_v[pl.ds(o, L)] = acc16
        return c

    lax.fori_loop(0, RPT // L, body, 0)



@functools.partial(
    pl.kernel,
    out_type=jax.ShapeDtypeStruct((NC, NPAD), jnp.float32),
    mesh=_mesh,
    compiler_params=_sc_params,
    scratch_types=[
        pltpu.VMEM((EPW,), jnp.int32),
        pltpu.VMEM((NPAD,), jnp.float32),
        pltpu.VMEM((RPT,), jnp.float32),
        pltpu.VMEM((NS, RPT), jnp.float32),
        pltpu.VMEM_SHARED((NS, NPAD), jnp.float32),
    ],
)
def _deg_kernel(dst_hbm, out_hbm, idx_v, acc_v, red_v, tmp2_v, shared):
    cid = lax.axis_index("c")
    sid = lax.axis_index("s")
    wid = cid * NS + sid
    _zero_ref(acc_v, NPAD)
    pltpu.sync_copy(dst_hbm.at[pl.ds(wid * EPW, EPW)], idx_v)
    ones = jnp.ones((L,), jnp.float32)

    def body(i, c):
        dvec = idx_v[pl.ds(i * L, L)]
        plsc.addupdate_scatter(acc_v, [dvec], ones)
        return c

    lax.fori_loop(0, EPW // L, body, 0)
    pltpu.sync_copy(acc_v, shared.at[sid])
    plsc.subcore_barrier()
    _reduce_tiles(shared, tmp2_v, red_v, sid)
    pltpu.sync_copy(red_v, out_hbm.at[cid, pl.ds(sid * RPT, RPT)])



@functools.partial(
    pl.kernel,
    out_type=jax.ShapeDtypeStruct((NC, NPAD, D), jnp.float32),
    mesh=_mesh,
    compiler_params=_sc_params,
    scratch_types=[
        pltpu.VMEM((2, CHW), jnp.int32),
        pltpu.VMEM((NCHW, CHW), jnp.int32),
        pltpu.VMEM((2, CHW, D), jnp.float32),
        pltpu.SemaphoreType.DMA,
        pltpu.SemaphoreType.DMA,
        pltpu.SemaphoreType.DMA,
        pltpu.SemaphoreType.DMA,
        pltpu.VMEM_SHARED((NPAD, D), jnp.float32),
    ],
)
def _row_agg_kernel(hs_hbm, src3_hbm, dst3_hbm, out_hbm,
                    sring_v, didx_v, rows_v, sem_a, sem_b, sem_sa, sem_sb,
                    acc_sh):
    cid = lax.axis_index("c")
    sid = lax.axis_index("s")
    wid = cid * NS + sid
    z = jnp.zeros((L,), jnp.float32)

    def zbody(j, c):
        rows_v[0, j // (D // L), pl.ds((j % (D // L)) * L, L)] = z
        return c

    lax.fori_loop(0, CHW * (D // L), zbody, 0)
    for k in range(RPT // CHW):
        pltpu.sync_copy(rows_v.at[0],
                        acc_sh.at[pl.ds(sid * RPT + k * CHW, CHW)])
    pltpu.sync_copy(dst3_hbm.at[wid], didx_v)
    plsc.subcore_barrier()

    def g(b, sem):
        return pltpu.make_async_copy(hs_hbm.at[sring_v.at[b]],
                                     rows_v.at[b], sem)

    def s_start(b, ci, sem):
        pltpu.async_copy(rows_v.at[b], acc_sh.at[didx_v.at[ci]], sem,
                         add=True)

    def s_wait(b, ci, sem):
        pltpu.make_async_copy(rows_v.at[b], acc_sh.at[didx_v.at[ci]],
                              sem).wait()

    pltpu.sync_copy(src3_hbm.at[wid, 0], sring_v.at[0])
    g(0, sem_a).start()

    def body(p, c):
        c0 = 2 * p

        @pl.when(p > 0)
        def _():
            s_wait(1, c0 - 1, sem_sb)

        pltpu.sync_copy(src3_hbm.at[wid, c0 + 1], sring_v.at[1])
        g(1, sem_b).start()
        g(0, sem_a).wait()
        s_start(0, c0, sem_sa)

        @pl.when(p < NPAIR - 1)
        def _():
            pltpu.sync_copy(src3_hbm.at[wid, c0 + 2], sring_v.at[0])

        g(1, sem_b).wait()
        s_start(1, c0 + 1, sem_sb)

        @pl.when(p < NPAIR - 1)
        def _():
            s_wait(0, c0, sem_sa)
            g(0, sem_a).start()

        return c

    lax.fori_loop(0, NPAIR, body, 0)
    s_wait(0, NCHW - 2, sem_sa)
    s_wait(1, NCHW - 1, sem_sb)
    plsc.subcore_barrier()
    pltpu.sync_copy(acc_sh.at[pl.ds(sid * RPT, RPT)],
                    out_hbm.at[cid, pl.ds(sid * RPT, RPT)])



@functools.partial(
    pl.kernel,
    out_type=jax.ShapeDtypeStruct((NC, NPAD), jnp.float32),
    mesh=_mesh,
    compiler_params=_sc_params,
    scratch_types=[
        pltpu.VMEM((EPW,), jnp.int32),
        pltpu.VMEM((EPW,), jnp.int32),
        pltpu.VMEM((NPAD,), jnp.float32),
        pltpu.VMEM((NPAD,), jnp.float32),
        pltpu.VMEM((RPT,), jnp.float32),
        pltpu.VMEM((NS, RPT), jnp.float32),
        pltpu.VMEM_SHARED((NS, NPAD), jnp.float32),
    ],
)
def _scalar_agg_kernel(ss_hbm, src_hbm, dst_hbm, out_hbm,
                       sidx_v, didx_v, ss_v, acc_v, red_v, tmp2_v, shared):
    cid = lax.axis_index("c")
    sid = lax.axis_index("s")
    wid = cid * NS + sid
    _zero_ref(acc_v, NPAD)
    pltpu.sync_copy(ss_hbm, ss_v.at[pl.ds(0, N)])
    pltpu.sync_copy(src_hbm.at[pl.ds(wid * EPW, EPW)], sidx_v)
    pltpu.sync_copy(dst_hbm.at[pl.ds(wid * EPW, EPW)], didx_v)

    def body(i, c):
        svec = sidx_v[pl.ds(i * L, L)]
        dvec = didx_v[pl.ds(i * L, L)]
        vals = plsc.load_gather(ss_v, [svec])
        plsc.addupdate_scatter(acc_v, [dvec], vals)
        return c

    lax.fori_loop(0, EPW // L, body, 0)
    pltpu.sync_copy(acc_v, shared.at[sid])
    plsc.subcore_barrier()
    _reduce_tiles(shared, tmp2_v, red_v, sid)
    pltpu.sync_copy(red_v, out_hbm.at[cid, pl.ds(sid * RPT, RPT)])



_BR = 1000


def _tc_hs_body(x_ref, w_ref, degp_ref, hs_ref):
    deg = degp_ref[0] + degp_ref[1] + 1.0
    dinv = lax.rsqrt(deg)
    h = jnp.dot(jnp.abs(x_ref[...]), w_ref[...],
                preferred_element_type=jnp.float32)
    hs_ref[...] = h * dinv


def _tc_mid_body(accp_ref, hs_ref, degp_ref, b1_ref, w2_ref, ss_ref):
    deg = degp_ref[0] + degp_ref[1] + 1.0
    dinv = lax.rsqrt(deg)
    tot = accp_ref[0] + accp_ref[1] + hs_ref[...]
    out1 = jnp.maximum(tot * dinv + b1_ref[...], 0.0)
    s = jnp.dot(out1, w2_ref[...], preferred_element_type=jnp.float32)
    ss_ref[...] = s * dinv


def _tc_out_body(qp_ref, ss_ref, degp_ref, b2_ref, o_ref):
    deg = degp_ref[0] + degp_ref[1] + 1.0
    dinv = lax.rsqrt(deg)
    out2 = (qp_ref[0] + qp_ref[1] + ss_ref[...]) * dinv + b2_ref[...]
    o_ref[...] = jax.nn.sigmoid(jnp.maximum(out2, 0.0))


def kernel(x, edge_index, W1, b1, W2, b2):
    src = edge_index[0].astype(jnp.int32)
    dst = edge_index[1].astype(jnp.int32)

    degp = _deg_kernel(dst)
    degp3 = degp.reshape(NC, NPAD, 1)

    hs = pl.pallas_call(
        _tc_hs_body,
        grid=(N // _BR,),
        in_specs=[
            pl.BlockSpec((_BR, D), lambda i: (i, 0)),
            pl.BlockSpec((D, D), lambda i: (0, 0)),
            pl.BlockSpec((NC, _BR, 1), lambda i: (0, i, 0)),
        ],
        out_specs=pl.BlockSpec((_BR, D), lambda i: (i, 0)),
        out_shape=jax.ShapeDtypeStruct((N, D), jnp.float32),
    )(x, W1, degp3)

    pad_i = jnp.arange(EPAD - E, dtype=jnp.int32)
    srcp = jnp.concatenate([src, pad_i % N])
    dstp = jnp.concatenate([dst, N + pad_i % (NPAD - N)])
    accp = _row_agg_kernel(hs, srcp.reshape(NW, NCHW, CHW),
                           dstp.reshape(NW, NCHW, CHW))

    ss = pl.pallas_call(
        _tc_mid_body,
        grid=(N // _BR,),
        in_specs=[
            pl.BlockSpec((NC, _BR, D), lambda i: (0, i, 0)),
            pl.BlockSpec((_BR, D), lambda i: (i, 0)),
            pl.BlockSpec((NC, _BR, 1), lambda i: (0, i, 0)),
            pl.BlockSpec((1, D), lambda i: (0, 0)),
            pl.BlockSpec((D, 1), lambda i: (0, 0)),
        ],
        out_specs=pl.BlockSpec((_BR, 1), lambda i: (i, 0)),
        out_shape=jax.ShapeDtypeStruct((N, 1), jnp.float32),
    )(accp, hs, degp3, b1.reshape(1, D), W2)

    qp = _scalar_agg_kernel(ss.reshape(N), src, dst)
    qp3 = qp.reshape(NC, NPAD, 1)

    y = pl.pallas_call(
        _tc_out_body,
        grid=(1,),
        in_specs=[
            pl.BlockSpec((NC, N, 1), lambda i: (0, 0, 0)),
            pl.BlockSpec((N, 1), lambda i: (0, 0)),
            pl.BlockSpec((NC, N, 1), lambda i: (0, 0, 0)),
            pl.BlockSpec((1, 1), lambda i: (0, 0)),
        ],
        out_specs=pl.BlockSpec((N, 1), lambda i: (0, 0)),
        out_shape=jax.ShapeDtypeStruct((N, 1), jnp.float32),
    )(qp3, ss, degp3, b2.reshape(1, 1))

    return y

# --- scband reference (transcript-rebuilt; emitter-appended) ---
"""Pipeline reference for scband-s-decoder-5583457485492 (READ-ONLY COPY).

The authoritative reference and input builder live on the scoring server;
editing this copy changes nothing except your own understanding.
"""

import jax, jax.numpy as jnp
import numpy as np

N_NODES = 10000
N_EDGES = 320000
D_IN = 128
D_HID = 128


def setup_inputs(seed: int = 0) -> dict:
    key = jax.random.key(seed)
    k1, k2, k3, k4, k5, k6 = jax.random.split(key, 6)
    x = jax.random.normal(k1, (N_NODES, D_IN), dtype=jnp.float32)
    edge_index = jax.random.randint(k2, (2, N_EDGES), 0, N_NODES, dtype=jnp.int64)
    # GCNConv layer 1: in=128, out=128 (glorot init like PyG)
    s1 = jnp.sqrt(6.0 / (D_IN + D_HID))
    W1 = jax.random.uniform(k3, (D_IN, D_HID), minval=-s1, maxval=s1, dtype=jnp.float32)
    b1 = jnp.zeros((D_HID,), dtype=jnp.float32)
    # GCNConv layer 2: in=128, out=1
    s2 = jnp.sqrt(6.0 / (D_HID + 1))
    W2 = jax.random.uniform(k4, (D_HID, 1), minval=-s2, maxval=s2, dtype=jnp.float32)
    b2 = jnp.zeros((1,), dtype=jnp.float32)
    return {"x": x, "edge_index": edge_index, "W1": W1, "b1": b1, "W2": W2, "b2": b2}


def _gcn_conv(x, W, b, src, dst, n):
    # PyG GCNConv with add_self_loops=True, normalize=True
    loop = jnp.arange(n, dtype=src.dtype)
    src2 = jnp.concatenate([src, loop])
    dst2 = jnp.concatenate([dst, loop])
    deg = jnp.zeros((n,), dtype=x.dtype).at[dst2].add(1.0)
    deg_inv_sqrt = jnp.where(deg > 0, 1.0 / jnp.sqrt(deg), 0.0)
    norm = deg_inv_sqrt[src2] * deg_inv_sqrt[dst2]
    h = x @ W
    msg = h[src2] * norm[:, None]
    out = jnp.zeros((n, W.shape[1]), dtype=x.dtype).at[dst2].add(msg)
    return out + b


def reference(x, edge_index, W1, b1, W2, b2):
    n = x.shape[0]
    src = edge_index[0]
    dst = edge_index[1]
    h = _gcn_conv(jnp.abs(x), W1, b1, src, dst, n)
    h = jax.nn.relu(h)
    h = _gcn_conv(h, W2, b2, src, dst, n)
    h = jax.nn.relu(h)
    return jax.nn.sigmoid(h)

if __name__ == "__main__":
    import jax
    _d = setup_inputs()
    print(jax.jit(kernel)(*tuple(_d.values())))

</pallas_src>

<mosaic_0001>
#map = affine_map<(d0, d1) -> (0)>
#map1 = affine_map<(d0, d1) -> (0, 0)>
module attributes {stable_mosaic.version = 14 : i64} {
  func.func @_deg_kernel(%arg0: i32, %arg1: i32, %arg2: memref<320000xi32, #tpu.memory_space<hbm>>, %arg3: memref<2x10240xf32, #tpu.memory_space<hbm>>, %arg4: memref<10000xi32, #tpu.memory_space<vmem>>, %arg5: memref<10240xf32, #tpu.memory_space<vmem>>, %arg6: memref<640xf32, #tpu.memory_space<vmem>>, %arg7: memref<16x640xf32, #tpu.memory_space<vmem>>, %arg8: memref<16x10240xf32, #tpu.memory_space<vmem_shared>>) attributes {dimension_semantics = [#tpu.dimension_semantics<core_parallel>, #tpu.dimension_semantics<subcore_parallel>], iteration_bounds = array<i64: 2, 16>, scalar_prefetch = 0 : i64, scratch_operands = 5 : i64, tpu.core_type = #tpu.core_type<sc_vector_subcore>, window_params = [{transform_indices = #map}, {transform_indices = #map1}]} {
    %mul3A = arith.constant 16 : i32
    %mul3A_0 = arith.muli %arg0, %mul3A : i32
    %add3A = arith.addi %mul3A_0, %arg1 : i32
    %broadcast_in_dim3A = arith.constant 0.000000e+00 : f32
    %broadcast_in_dim3A_1 = vector.broadcast %broadcast_in_dim3A : f32 to vector<16xf32>
    %scan3A = arith.constant 0 : i32
    %scan3A_2 = arith.constant 0 : i32
    %scan3A_3 = arith.constant 640 : i32
    %scan3A_4 = arith.addi %scan3A_2, %scan3A_3 : i32
    %scan3A_5 = arith.constant 1 : i32
    scf.for %scan3A_27 = %scan3A_2 to %scan3A_4 step %scan3A_5  : i32 {
      %mul3A_28 = arith.constant 16 : i32
      %mul3A_29 = arith.muli %scan3A_27, %mul3A_28 : i32
      %swap3A = arith.index_cast %mul3A_29 : i32 to index
      %swap3A_30 = tpu.vector_load %arg5[%swap3A] {strides = array<i32>} : memref<10240xf32, #tpu.memory_space<vmem>>, vector<16xf32>,
      tpu.vector_store %arg5[%swap3A], %broadcast_in_dim3A_1 {strides = array<i32>} : memref<10240xf32, #tpu.memory_space<vmem>>, vector<16xf32>,
    }
    %scan3A_6 = arith.constant 640 : i32
    %mul3A_7 = arith.constant 10000 : i32
    %mul3A_8 = arith.muli %add3A, %mul3A_7 : i32
    "tpu.region"() ({
      %run_scoped3A = tpu.sem_alloc : memref<!tpu.dma_semaphore, #tpu.memory_space<semaphore_mem>>
      %dma_start3A = tpu.memref_slice %arg2[%mul3A_8] : memref<320000xi32, #tpu.memory_space<hbm>> -> memref<10000xi32, #tpu.memory_space<hbm>>
      %dma_start3A_27 = tpu.memref_slice %arg2[%mul3A_8] : memref<320000xi32, #tpu.memory_space<hbm>> -> memref<10000xi32, #tpu.memory_space<hbm>>
      tpu.enqueue_dma source(%dma_start3A_27 : memref<10000xi32, #tpu.memory_space<hbm>>) target(%arg4 : memref<10000xi32, #tpu.memory_space<vmem>>) target_semaphore(%run_scoped3A : memref<!tpu.dma_semaphore, #tpu.memory_space<semaphore_mem>>)
      %dma_wait3A = tpu.memref_slice %arg2[%mul3A_8] : memref<320000xi32, #tpu.memory_space<hbm>> -> memref<10000xi32, #tpu.memory_space<hbm>>
      %dma_wait3A_28 = tpu.memref_slice %arg2[%mul3A_8] : memref<320000xi32, #tpu.memory_space<hbm>> -> memref<10000xi32, #tpu.memory_space<hbm>>
      tpu.wait_dma2 semaphore(%run_scoped3A : memref<!tpu.dma_semaphore, #tpu.memory_space<semaphore_mem>>) src(%dma_wait3A_28 : memref<10000xi32, #tpu.memory_space<hbm>>) dst(%arg4 : memref<10000xi32, #tpu.memory_space<vmem>>)
      tpu.yield
    }) : () -> ()
    %broadcast_in_dim3A_9 = arith.constant 1.000000e+00 : f32
    %broadcast_in_dim3A_10 = vector.broadcast %broadcast_in_dim3A_9 : f32 to vector<16xf32>
    %scan3A_11 = arith.constant 0 : i32
    %scan3A_12 = arith.constant 0 : i32
    %scan3A_13 = arith.constant 625 : i32
    %scan3A_14 = arith.addi %scan3A_12, %scan3A_13 : i32
    %scan3A_15 = arith.constant 1 : i32
    scf.for %scan3A_27 = %scan3A_12 to %scan3A_14 step %scan3A_15  : i32 {
      %mul3A_28 = arith.constant 16 : i32
      %mul3A_29 = arith.muli %scan3A_27, %mul3A_28 : i32
      %get3A = arith.index_cast %mul3A_29 : i32 to index
      %get3A_30 = tpu.vector_load %arg4[%get3A] {strides = array<i32>} : memref<10000xi32, #tpu.memory_space<vmem>>, vector<16xi32>,
      tpu.vector_store_idx %arg5[%get3A_30], %broadcast_in_dim3A_10 {add = true} : memref<10240xf32, #tpu.memory_space<vmem>>[vector<16xi32>], vector<16xf32>,
    }
    %scan3A_16 = arith.constant 625 : i32
    "tpu.region"() ({
      %run_scoped3A = tpu.sem_alloc : memref<!tpu.dma_semaphore, #tpu.memory_space<semaphore_mem>>
      %dma_start3A = arith.constant 0 : i32
      %dma_start3A_27 = tpu.memref_slice %arg8[%arg1, %dma_start3A] : memref<16x10240xf32, #tpu.memory_space<vmem_shared>> -> memref<1x10240xf32, #tpu.memory_space<vmem_shared>>
      %dma_start3A_28 = tpu.memref_squeeze %dma_start3A_27 : memref<1x10240xf32, #tpu.memory_space<vmem_shared>> -> memref<10240xf32, #tpu.memory_space<vmem_shared>>
      %dma_start3A_29 = arith.constant 0 : i32
      %dma_start3A_30 = tpu.memref_slice %arg8[%arg1, %dma_start3A_29] : memref<16x10240xf32, #tpu.memory_space<vmem_shared>> -> memref<1x10240xf32, #tpu.memory_space<vmem_shared>>
      %dma_start3A_31 = tpu.memref_squeeze %dma_start3A_30 : memref<1x10240xf32, #tpu.memory_space<vmem_shared>> -> memref<10240xf32, #tpu.memory_space<vmem_shared>>
      tpu.enqueue_dma source(%arg5 : memref<10240xf32, #tpu.memory_space<vmem>>) target(%dma_start3A_31 : memref<10240xf32, #tpu.memory_space<vmem_shared>>) target_semaphore(%run_scoped3A : memref<!tpu.dma_semaphore, #tpu.memory_space<semaphore_mem>>)
      %dma_wait3A = arith.constant 0 : i32
      %dma_wait3A_32 = tpu.memref_slice %arg8[%arg1, %dma_wait3A] : memref<16x10240xf32, #tpu.memory_space<vmem_shared>> -> memref<1x10240xf32, #tpu.memory_space<vmem_shared>>
      %dma_wait3A_33 = tpu.memref_squeeze %dma_wait3A_32 : memref<1x10240xf32, #tpu.memory_space<vmem_shared>> -> memref<10240xf32, #tpu.memory_space<vmem_shared>>
      %dma_wait3A_34 = arith.constant 0 : i32
      %dma_wait3A_35 = tpu.memref_slice %arg8[%arg1, %dma_wait3A_34] : memref<16x10240xf32, #tpu.memory_space<vmem_shared>> -> memref<1x10240xf32, #tpu.memory_space<vmem_shared>>
      %dma_wait3A_36 = tpu.memref_squeeze %dma_wait3A_35 : memref<1x10240xf32, #tpu.memory_space<vmem_shared>> -> memref<10240xf32, #tpu.memory_space<vmem_shared>>
      tpu.wait_dma2 semaphore(%run_scoped3A : memref<!tpu.dma_semaphore, #tpu.memory_space<semaphore_mem>>) src(%arg5 : memref<10240xf32, #tpu.memory_space<vmem>>) dst(%dma_wait3A_36 : memref<10240xf32, #tpu.memory_space<vmem_shared>>)
      tpu.yield
    }) : () -> ()
    %barrier3A = arith.constant 0 : index
    tpu.barrier barrier_id(%barrier3A)
    %mul3A_17 = arith.constant 640 : i32
    %mul3A_18 = arith.muli %arg1, %mul3A_17 : i32
    "tpu.region"() ({
      %run_scoped3A = tpu.sem_alloc : memref<!tpu.dma_semaphore, #tpu.memory_space<semaphore_mem>>
      %dma_start3A = arith.constant 0 : i32
      %dma_start3A_27 = tpu.memref_slice %arg8[%dma_start3A, %mul3A_18] : memref<16x10240xf32, #tpu.memory_space<vmem_shared>> -> memref<16x640xf32, #tpu.memory_space<vmem_shared>>
      %dma_start3A_28 = arith.constant 0 : i32
      %dma_start3A_29 = tpu.memref_slice %arg8[%dma_start3A_28, %mul3A_18] : memref<16x10240xf32, #tpu.memory_space<vmem_shared>> -> memref<16x640xf32, #tpu.memory_space<vmem_shared>>
      tpu.enqueue_dma source(%dma_start3A_29 : memref<16x640xf32, #tpu.memory_space<vmem_shared>>) target(%arg7 : memref<16x640xf32, #tpu.memory_space<vmem>>) target_semaphore(%run_scoped3A : memref<!tpu.dma_semaphore, #tpu.memory_space<semaphore_mem>>)
      %dma_wait3A = arith.constant 0 : i32
      %dma_wait3A_30 = tpu.memref_slice %arg8[%dma_wait3A, %mul3A_18] : memref<16x10240xf32, #tpu.memory_space<vmem_shared>> -> memref<16x640xf32, #tpu.memory_space<vmem_shared>>
      %dma_wait3A_31 = arith.constant 0 : i32
      %dma_wait3A_32 = tpu.memref_slice %arg8[%dma_wait3A_31, %mul3A_18] : memref<16x10240xf32, #tpu.memory_space<vmem_shared>> -> memref<16x640xf32, #tpu.memory_space<vmem_shared>>
      tpu.wait_dma2 semaphore(%run_scoped3A : memref<!tpu.dma_semaphore, #tpu.memory_space<semaphore_mem>>) src(%dma_wait3A_32 : memref<16x640xf32, #tpu.memory_space<vmem_shared>>) dst(%arg7 : memref<16x640xf32, #tpu.memory_space<vmem>>)
      tpu.yield
    }) : () -> ()
    %scan3A_19 = arith.constant 0 : i32
    %scan3A_20 = arith.constant 0 : i32
    %scan3A_21 = arith.constant 40 : i32
    %scan3A_22 = arith.addi %scan3A_20, %scan3A_21 : i32
    %scan3A_23 = arith.constant 1 : i32
    scf.for %scan3A_27 = %scan3A_20 to %scan3A_22 step %scan3A_23  : i32 {
      %mul3A_28 = arith.constant 16 : i32
      %mul3A_29 = arith.muli %scan3A_27, %mul3A_28 : i32
      %get3A = arith.constant 0 : i32
      %get3A_30 = arith.index_cast %get3A : i32 to index
      %get3A_31 = arith.index_cast %mul3A_29 : i32 to index
      %get3A_32 = tpu.vector_load %arg7[%get3A_30, %get3A_31] {strides = array<i32>} : memref<16x640xf32, #tpu.memory_space<vmem>>, vector<16xf32>,
      %get3A_33 = arith.constant 1 : i32
      %get3A_34 = arith.index_cast %get3A_33 : i32 to index
      %get3A_35 = arith.index_cast %mul3A_29 : i32 to index
      %get3A_36 = tpu.vector_load %arg7[%get3A_34, %get3A_35] {strides = array<i32>} : memref<16x640xf32, #tpu.memory_space<vmem>>, vector<16xf32>,
      %add3A_37 = arith.addf %get3A_32, %get3A_36 : vector<16xf32>
      %get3A_38 = arith.constant 2 : i32
      %get3A_39 = arith.index_cast %get3A_38 : i32 to index
      %get3A_40 = arith.index_cast %mul3A_29 : i32 to index
      %get3A_41 = tpu.vector_load %arg7[%get3A_39, %get3A_40] {strides = array<i32>} : memref<16x640xf32, #tpu.memory_space<vmem>>, vector<16xf32>,
      %add3A_42 = arith.addf %add3A_37, %get3A_41 : vector<16xf32>
      %get3A_43 = arith.constant 3 : i32
      %get3A_44 = arith.index_cast %get3A_43 : i32 to index
      %get3A_45 = arith.index_cast %mul3A_29 : i32 to index
      %get3A_46 = tpu.vector_load %arg7[%get3A_44, %get3A_45] {strides = array<i32>} : memref<16x640xf32, #tpu.memory_space<vmem>>, vector<16xf32>,
      %add3A_47 = arith.addf %add3A_42, %get3A_46 : vector<16xf32>
      %get3A_48 = arith.constant 4 : i32
      %get3A_49 = arith.index_cast %get3A_48 : i32 to index
      %get3A_50 = arith.index_cast %mul3A_29 : i32 to index
      %get3A_51 = tpu.vector_load %arg7[%get3A_49, %get3A_50] {strides = array<i32>} : memref<16x640xf32, #tpu.memory_space<vmem>>, vector<16xf32>,
      %add3A_52 = arith.addf %add3A_47, %get3A_51 : vector<16xf32>
      %get3A_53 = arith.constant 5 : i32
      %get3A_54 = arith.index_cast %get3A_53 : i32 to index
      %get3A_55 = arith.index_cast %mul3A_29 : i32 to index
      %get3A_56 = tpu.vector_load %arg7[%get3A_54, %get3A_55] {strides = array<i32>} : memref<16x640xf32, #tpu.memory_space<vmem>>, vector<16xf32>,
      %add3A_57 = arith.addf %add3A_52, %get3A_56 : vector<16xf32>
      %get3A_58 = arith.constant 6 : i32
      %get3A_59 = arith.index_cast %get3A_58 : i32 to index
      %get3A_60 = arith.index_cast %mul3A_29 : i32 to index
      %get3A_61 = tpu.vector_load %arg7[%get3A_59, %get3A_60] {strides = array<i32>} : memref<16x640xf32, #tpu.memory_space<vmem>>, vector<16xf32>,
      %add3A_62 = arith.addf %add3A_57, %get3A_61 : vector<16xf32>
      %get3A_63 = arith.constant 7 : i32
      %get3A_64 = arith.index_cast %get3A_63 : i32 to index
      %get3A_65 = arith.index_cast %mul3A_29 : i32 to index
      %get3A_66 = tpu.vector_load %arg7[%get3A_64, %get3A_65] {strides = array<i32>} : memref<16x640xf32, #tpu.memory_space<vmem>>, vector<16xf32>,
      %add3A_67 = arith.addf %add3A_62, %get3A_66 : vector<16xf32>
      %get3A_68 = arith.constant 8 : i32
      %get3A_69 = arith.index_cast %get3A_68 : i32 to index
      %get3A_70 = arith.index_cast %mul3A_29 : i32 to index
      %get3A_71 = tpu.vector_load %arg7[%get3A_69, %get3A_70] {strides = array<i32>} : memref<16x640xf32, #tpu.memory_space<vmem>>, vector<16xf32>,
      %add3A_72 = arith.addf %add3A_67, %get3A_71 : vector<16xf32>
      %get3A_73 = arith.constant 9 : i32
      %get3A_74 = arith.index_cast %get3A_73 : i32 to index
      %get3A_75 = arith.index_cast %mul3A_29 : i32 to index
      %get3A_76 = tpu.vector_load %arg7[%get3A_74, %get3A_75] {strides = array<i32>} : memref<16x640xf32, #tpu.memory_space<vmem>>, vector<16xf32>,
      %add3A_77 = arith.addf %add3A_72, %get3A_76 : vector<16xf32>
      %get3A_78 = arith.constant 10 : i32
      %get3A_79 = arith.index_cast %get3A_78 : i32 to index
      %get3A_80 = arith.index_cast %mul3A_29 : i32 to index
      %get3A_81 = tpu.vector_load %arg7[%get3A_79, %get3A_80] {strides = array<i32>} : memref<16x640xf32, #tpu.memory_space<vmem>>, vector<16xf32>,
      %add3A_82 = arith.addf %add3A_77, %get3A_81 : vector<16xf32>
      %get3A_83 = arith.constant 11 : i32
      %get3A_84 = arith.index_cast %get3A_83 : i32 to index
      %get3A_85 = arith.index_cast %mul3A_29 : i32 to index
      %get3A_86 = tpu.vector_load %arg7[%get3A_84, %get3A_85] {strides = array<i32>} : memref<16x640xf32, #tpu.memory_space<vmem>>, vector<16xf32>,
      %add3A_87 = arith.addf %add3A_82, %get3A_86 : vector<16xf32>
      %get3A_88 = arith.constant 12 : i32
      %get3A_89 = arith.index_cast %get3A_88 : i32 to index
      %get3A_90 = arith.index_cast %mul3A_29 : i32 to index
      %get3A_91 = tpu.vector_load %arg7[%get3A_89, %get3A_90] {strides = array<i32>} : memref<16x640xf32, #tpu.memory_space<vmem>>, vector<16xf32>,
      %add3A_92 = arith.addf %add3A_87, %get3A_91 : vector<16xf32>
      %get3A_93 = arith.constant 13 : i32
      %get3A_94 = arith.index_cast %get3A_93 : i32 to index
      %get3A_95 = arith.index_cast %mul3A_29 : i32 to index
      %get3A_96 = tpu.vector_load %arg7[%get3A_94, %get3A_95] {strides = array<i32>} : memref<16x640xf32, #tpu.memory_space<vmem>>, vector<16xf32>,
      %add3A_97 = arith.addf %add3A_92, %get3A_96 : vector<16xf32>
      %get3A_98 = arith.constant 14 : i32
      %get3A_99 = arith.index_cast %get3A_98 : i32 to index
      %get3A_100 = arith.index_cast %mul3A_29 : i32 to index
      %get3A_101 = tpu.vector_load %arg7[%get3A_99, %get3A_100] {strides = array<i32>} : memref<16x640xf32, #tpu.memory_space<vmem>>, vector<16xf32>,
      %add3A_102 = arith.addf %add3A_97, %get3A_101 : vector<16xf32>
      %get3A_103 = arith.constant 15 : i32
      %get3A_104 = arith.index_cast %get3A_103 : i32 to index
      %get3A_105 = arith.index_cast %mul3A_29 : i32 to index
      %get3A_106 = tpu.vector_load %arg7[%get3A_104, %get3A_105] {strides = array<i32>} : memref<16x640xf32, #tpu.memory_space<vmem>>, vector<16xf32>,
      %add3A_107 = arith.addf %add3A_102, %get3A_106 : vector<16xf32>
      %swap3A = arith.index_cast %mul3A_29 : i32 to index
      %swap3A_108 = tpu.vector_load %arg6[%swap3A] {strides = array<i32>} : memref<640xf32, #tpu.memory_space<vmem>>, vector<16xf32>,
      tpu.vector_store %arg6[%swap3A], %add3A_107 {strides = array<i32>} : memref<640xf32, #tpu.memory_space<vmem>>, vector<16xf32>,
    }
    %scan3A_24 = arith.constant 40 : i32
    %mul3A_25 = arith.constant 640 : i32
    %mul3A_26 = arith.muli %arg1, %mul3A_25 : i32
    "tpu.region"() ({
      %run_scoped3A = tpu.sem_alloc : memref<!tpu.dma_semaphore, #tpu.memory_space<semaphore_mem>>
      %dma_start3A = tpu.memref_slice %arg3[%arg0, %mul3A_26] : memref<2x10240xf32, #tpu.memory_space<hbm>> -> memref<1x640xf32, #tpu.memory_space<hbm>>
      %dma_start3A_27 = tpu.memref_squeeze %dma_start3A : memref<1x640xf32, #tpu.memory_space<hbm>> -> memref<640xf32, #tpu.memory_space<hbm>>
      %dma_start3A_28 = tpu.memref_slice %arg3[%arg0, %mul3A_26] : memref<2x10240xf32, #tpu.memory_space<hbm>> -> memref<1x640xf32, #tpu.memory_space<hbm>>
      %dma_start3A_29 = tpu.memref_squeeze %dma_start3A_28 : memref<1x640xf32, #tpu.memory_space<hbm>> -> memref<640xf32, #tpu.memory_space<hbm>>
      tpu.enqueue_dma source(%arg6 : memref<640xf32, #tpu.memory_space<vmem>>) target(%dma_start3A_29 : memref<640xf32, #tpu.memory_space<hbm>>) target_semaphore(%run_scoped3A : memref<!tpu.dma_semaphore, #tpu.memory_space<semaphore_mem>>)
      %dma_wait3A = tpu.memref_slice %arg3[%arg0, %mul3A_26] : memref<2x10240xf32, #tpu.memory_space<hbm>> -> memref<1x640xf32, #tpu.memory_space<hbm>>
      %dma_wait3A_30 = tpu.memref_squeeze %dma_wait3A : memref<1x640xf32, #tpu.memory_space<hbm>> -> memref<640xf32, #tpu.memory_space<hbm>>
      %dma_wait3A_31 = tpu.memref_slice %arg3[%arg0, %mul3A_26] : memref<2x10240xf32, #tpu.memory_space<hbm>> -> memref<1x640xf32, #tpu.memory_space<hbm>>
      %dma_wait3A_32 = tpu.memref_squeeze %dma_wait3A_31 : memref<1x640xf32, #tpu.memory_space<hbm>> -> memref<640xf32, #tpu.memory_space<hbm>>
      tpu.wait_dma2 semaphore(%run_scoped3A : memref<!tpu.dma_semaphore, #tpu.memory_space<semaphore_mem>>) src(%arg6 : memref<640xf32, #tpu.memory_space<vmem>>) dst(%dma_wait3A_32 : memref<640xf32, #tpu.memory_space<hbm>>)
      tpu.yield
    }) : () -> ()
    return
  }
}

#map = affine_map<(d0, d1) -> (0, 0)>
#map1 = affine_map<(d0, d1) -> (0, 0, 0)>
module attributes {stable_mosaic.version = 14 : i64} {
  func.func @_row_agg_kernel(%arg0: i32, %arg1: i32, %arg2: memref<10000x128xf32, #tpu.memory_space<hbm>>, %arg3: memref<32x80x128xi32, #tpu.memory_space<hbm>>, %arg4: memref<32x80x128xi32, #tpu.memory_space<hbm>>, %arg5: memref<2x10240x128xf32, #tpu.memory_space<hbm>>, %arg6: memref<2x128xi32, #tpu.memory_space<vmem>>, %arg7: memref<80x128xi32, #tpu.memory_space<vmem>>, %arg8: memref<2x128x128xf32, #tpu.memory_space<vmem>>, %arg9: memref<!tpu.dma_semaphore, #tpu.memory_space<semaphore_mem>>, %arg10: memref<!tpu.dma_semaphore, #tpu.memory_space<semaphore_mem>>, %arg11: memref<!tpu.dma_semaphore, #tpu.memory_space<semaphore_mem>>, %arg12: memref<!tpu.dma_semaphore, #tpu.memory_space<semaphore_mem>>, %arg13: memref<10240x128xf32, #tpu.memory_space<vmem_shared>>) attributes {dimension_semantics = [#tpu.dimension_semantics<core_parallel>, #tpu.dimension_semantics<subcore_parallel>], iteration_bounds = array<i64: 2, 16>, scalar_prefetch = 0 : i64, scratch_operands = 8 : i64, tpu.core_type = #tpu.core_type<sc_vector_subcore>, window_params = [{transform_indices = #map}, {transform_indices = #map1}, {transform_indices = #map1}, {transform_indices = #map1}]} {
    %mul3A = arith.constant 16 : i32
    %mul3A_0 = arith.muli %arg0, %mul3A : i32
    %add3A = arith.addi %mul3A_0, %arg1 : i32
    %broadcast_in_dim3A = arith.constant 0.000000e+00 : f32
    %broadcast_in_dim3A_1 = vector.broadcast %broadcast_in_dim3A : f32 to vector<16xf32>
    %scan3A = arith.constant 0 : i32
    %scan3A_2 = arith.constant 0 : i32
    %scan3A_3 = arith.constant 1024 : i32
    %scan3A_4 = arith.addi %scan3A_2, %scan3A_3 : i32
    %scan3A_5 = arith.constant 1 : i32
    scf.for %scan3A_78 = %scan3A_2 to %scan3A_4 step %scan3A_5  : i32 {
      %jit3A = arith.constant 8 : i32
      %div3A = arith.divsi %scan3A_78, %jit3A : i32
      %sign3A = arith.constant 0 : i32
      %sign3A_79 = arith.cmpi sgt, %scan3A_78, %sign3A : i32
      %sign3A_80 = arith.extui %sign3A_79 : i1 to i32
      %sign3A_81 = arith.constant 0 : i32
      %sign3A_82 = arith.cmpi slt, %scan3A_78, %sign3A_81 : i32
      %sign3A_83 = arith.extui %sign3A_82 : i1 to i32
      %sign3A_84 = arith.subi %sign3A_80, %sign3A_83 : i32
      %sign3A_85 = arith.constant 0 : i32
      %sign3A_86 = arith.cmpi sgt, %jit3A, %sign3A_85 : i32
      %sign3A_87 = arith.extui %sign3A_86 : i1 to i32
      %sign3A_88 = arith.constant 0 : i32
      %sign3A_89 = arith.cmpi slt, %jit3A, %sign3A_88 : i32
      %sign3A_90 = arith.extui %sign3A_89 : i1 to i32
      %sign3A_91 = arith.subi %sign3A_87, %sign3A_90 : i32
      %ne3A = arith.cmpi ne, %sign3A_84, %sign3A_91 : i32
      %rem3A = arith.remsi %scan3A_78, %jit3A : i32
      %ne3A_92 = arith.constant 0 : i32
      %ne3A_93 = arith.cmpi ne, %rem3A, %ne3A_92 : i32
      %and3A = arith.andi %ne3A, %ne3A_93 : i1
      %sub3A = arith.constant 1 : i32
      %sub3A_94 = arith.subi %div3A, %sub3A : i32
      %select_n3A = arith.select %and3A, %sub3A_94, %div3A : i32
      %jit3A_95 = arith.constant 8 : i32
      %eq3A = arith.constant 0 : i32
      %eq3A_96 = arith.cmpi eq, %jit3A_95, %eq3A : i32
      %jit3A_97 = arith.constant 1 : i32
      %select_n3A_98 = arith.select %eq3A_96, %jit3A_97, %jit3A_95 : i32
      %rem3A_99 = arith.remsi %scan3A_78, %select_n3A_98 : i32
      %ne3A_100 = arith.constant 0 : i32
      %ne3A_101 = arith.cmpi ne, %rem3A_99, %ne3A_100 : i32
      %lt3A = arith.constant 0 : i32
      %lt3A_102 = arith.cmpi slt, %rem3A_99, %lt3A : i32
      %lt3A_103 = arith.constant 0 : i32
      %lt3A_104 = arith.cmpi slt, %select_n3A_98, %lt3A_103 : i32
      %ne3A_105 = arith.xori %lt3A_102, %lt3A_104 : i1
      %and3A_106 = arith.andi %ne3A_105, %ne3A_101 : i1
      %add3A_107 = arith.addi %rem3A_99, %select_n3A_98 : i32
      %select_n3A_108 = arith.select %and3A_106, %add3A_107, %rem3A_99 : i32
      %mul3A_109 = arith.constant 16 : i32
      %mul3A_110 = arith.muli %select_n3A_108, %mul3A_109 : i32
      %swap3A = arith.constant 0 : i32
      %swap3A_111 = arith.index_cast %swap3A : i32 to index
      %swap3A_112 = arith.index_cast %select_n3A : i32 to index
      %swap3A_113 = arith.index_cast %mul3A_110 : i32 to index
      %swap3A_114 = tpu.vector_load %arg8[%swap3A_111, %swap3A_112, %swap3A_113] {strides = array<i32>} : memref<2x128x128xf32, #tpu.memory_space<vmem>>, vector<16xf32>,
      tpu.vector_store %arg8[%swap3A_111, %swap3A_112, %swap3A_113], %broadcast_in_dim3A_1 {strides = array<i32>} : memref<2x128x128xf32, #tpu.memory_space<vmem>>, vector<16xf32>,
    }
    %scan3A_6 = arith.constant 1024 : i32
    %mul3A_7 = arith.constant 640 : i32
    %mul3A_8 = arith.muli %arg1, %mul3A_7 : i32
    %add3A_9 = arith.constant 0 : i32
    %add3A_10 = arith.addi %mul3A_8, %add3A_9 : i32
    %run_scoped3A = arith.constant 0 : i32
    "tpu.region"() ({
      %run_scoped3A_78 = tpu.sem_alloc : memref<!tpu.dma_semaphore, #tpu.memory_space<semaphore_mem>>
      %dma_start3A_79 = arith.constant 0 : i32
      %dma_start3A_80 = arith.constant 0 : i32
      %dma_start3A_81 = tpu.memref_slice %arg8[%run_scoped3A, %dma_start3A_79, %dma_start3A_80] : memref<2x128x128xf32, #tpu.memory_space<vmem>> -> memref<1x128x128xf32, #tpu.memory_space<vmem>>
      %dma_start3A_82 = tpu.memref_squeeze %dma_start3A_81 : memref<1x128x128xf32, #tpu.memory_space<vmem>> -> memref<128x128xf32, #tpu.memory_space<vmem>>
      %dma_start3A_83 = arith.constant 0 : i32
      %dma_start3A_84 = tpu.memref_slice %arg13[%add3A_10, %dma_start3A_83] : memref<10240x128xf32, #tpu.memory_space<vmem_shared>> -> memref<128x128xf32, #tpu.memory_space<vmem_shared>>
      %dma_start3A_85 = arith.constant 0 : i32
      %dma_start3A_86 = tpu.memref_slice %arg13[%add3A_10, %dma_start3A_85] : memref<10240x128xf32, #tpu.memory_space<vmem_shared>> -> memref<128x128xf32, #tpu.memory_space<vmem_shared>>
      %dma_start3A_87 = arith.constant 0 : i32
      %dma_start3A_88 = arith.constant 0 : i32
      %dma_start3A_89 = tpu.memref_slice %arg8[%run_scoped3A, %dma_start3A_87, %dma_start3A_88] : memref<2x128x128xf32, #tpu.memory_space<vmem>> -> memref<1x128x128xf32, #tpu.memory_space<vmem>>
      %dma_start3A_90 = tpu.memref_squeeze %dma_start3A_89 : memref<1x128x128xf32, #tpu.memory_space<vmem>> -> memref<128x128xf32, #tpu.memory_space<vmem>>
      tpu.enqueue_dma source(%dma_start3A_90 : memref<128x128xf32, #tpu.memory_space<vmem>>) target(%dma_start3A_86 : memref<128x128xf32, #tpu.memory_space<vmem_shared>>) target_semaphore(%run_scoped3A_78 : memref<!tpu.dma_semaphore, #tpu.memory_space<semaphore_mem>>)
      %dma_wait3A_91 = arith.constant 0 : i32
      %dma_wait3A_92 = arith.constant 0 : i32
      %dma_wait3A_93 = tpu.memref_slice %arg8[%run_scoped3A, %dma_wait3A_91, %dma_wait3A_92] : memref<2x128x128xf32, #tpu.memory_space<vmem>> -> memref<1x128x128xf32, #tpu.memory_space<vmem>>
      %dma_wait3A_94 = tpu.memref_squeeze %dma_wait3A_93 : memref<1x128x128xf32, #tpu.memory_space<vmem>> -> memref<128x128xf32, #tpu.memory_space<vmem>>
      %dma_wait3A_95 = arith.constant 0 : i32
      %dma_wait3A_96 = tpu.memref_slice %arg13[%add3A_10, %dma_wait3A_95] : memref<10240x128xf32, #tpu.memory_space<vmem_shared>> -> memref<128x128xf32, #tpu.memory_space<vmem_shared>>
      %dma_wait3A_97 = arith.constant 0 : i32
      %dma_wait3A_98 = tpu.memref_slice %arg13[%add3A_10, %dma_wait3A_97] : memref<10240x128xf32, #tpu.memory_space<vmem_shared>> -> memref<128x128xf32, #tpu.memory_space<vmem_shared>>
      %dma_wait3A_99 = arith.constant 0 : i32
      %dma_wait3A_100 = arith.constant 0 : i32
      %dma_wait3A_101 = tpu.memref_slice %arg8[%run_scoped3A, %dma_wait3A_99, %dma_wait3A_100] : memref<2x128x128xf32, #tpu.memory_space<vmem>> -> memref<1x128x128xf32, #tpu.memory_space<vmem>>
      %dma_wait3A_102 = tpu.memref_squeeze %dma_wait3A_101 : memref<1x128x128xf32, #tpu.memory_space<vmem>> -> memref<128x128xf32, #tpu.memory_space<vmem>>
      tpu.wait_dma2 semaphore(%run_scoped3A_78 : memref<!tpu.dma_semaphore, #tpu.memory_space<semaphore_mem>>) src(%dma_wait3A_102 : memref<128x128xf32, #tpu.memory_space<vmem>>) dst(%dma_wait3A_98 : memref<128x128xf32, #tpu.memory_space<vmem_shared>>)
      tpu.yield
    }) : () -> ()
    %mul3A_11 = arith.constant 640 : i32
    %mul3A_12 = arith.muli %arg1, %mul3A_11 : i32
    %add3A_13 = arith.constant 128 : i32
    %add3A_14 = arith.addi %mul3A_12, %add3A_13 : i32
    %run_scoped3A_15 = arith.constant 0 : i32
    "tpu.region"() ({
      %run_scoped3A_78 = tpu.sem_alloc : memref<!tpu.dma_semaphore, #tpu.memory_space<semaphore_mem>>
      %dma_start3A_79 = arith.constant 0 : i32
      %dma_start3A_80 = arith.constant 0 : i32
      %dma_start3A_81 = tpu.memref_slice %arg8[%run_scoped3A_15, %dma_start3A_79, %dma_start3A_80] : memref<2x128x128xf32, #tpu.memory_space<vmem>> -> memref<1x128x128xf32, #tpu.memory_space<vmem>>
      %dma_start3A_82 = tpu.memref_squeeze %dma_start3A_81 : memref<1x128x128xf32, #tpu.memory_space<vmem>> -> memref<128x128xf32, #tpu.memory_space<vmem>>
      %dma_start3A_83 = arith.constant 0 : i32
      %dma_start3A_84 = tpu.memref_slice %arg13[%add3A_14, %dma_start3A_83] : memref<10240x128xf32, #tpu.memory_space<vmem_shared>> -> memref<128x128xf32, #tpu.memory_space<vmem_shared>>
      %dma_start3A_85 = arith.constant 0 : i32
      %dma_start3A_86 = tpu.memref_slice %arg13[%add3A_14, %dma_start3A_85] : memref<10240x128xf32, #tpu.memory_space<vmem_shared>> -> memref<128x128xf32, #tpu.memory_space<vmem_shared>>
      %dma_start3A_87 = arith.constant 0 : i32
      %dma_start3A_88 = arith.constant 0 : i32
      %dma_start3A_89 = tpu.memref_slice %arg8[%run_scoped3A_15, %dma_start3A_87, %dma_start3A_88] : memref<2x128x128xf32, #tpu.memory_space<vmem>> -> memref<1x128x128xf32, #tpu.memory_space<vmem>>
      %dma_start3A_90 = tpu.memref_squeeze %dma_start3A_89 : memref<1x128x128xf32, #tpu.memory_space<vmem>> -> memref<128x128xf32, #tpu.memory_space<vmem>>
      tpu.enqueue_dma source(%dma_start3A_90 : memref<128x128xf32, #tpu.memory_space<vmem>>) target(%dma_start3A_86 : memref<128x128xf32, #tpu.memory_space<vmem_shared>>) target_semaphore(%run_scoped3A_78 : memref<!tpu.dma_semaphore, #tpu.memory_space<semaphore_mem>>)
      %dma_wait3A_91 = arith.constant 0 : i32
      %dma_wait3A_92 = arith.constant 0 : i32
      %dma_wait3A_93 = tpu.memref_slice %arg8[%run_scoped3A_15, %dma_wait3A_91, %dma_wait3A_92] : memref<2x128x128xf32, #tpu.memory_space<vmem>> -> memref<1x128x128xf32, #tpu.memory_space<vmem>>
      %dma_wait3A_94 = tpu.memref_squeeze %dma_wait3A_93 : memref<1x128x128xf32, #tpu.memory_space<vmem>> -> memref<128x128xf32, #tpu.memory_space<vmem>>
      %dma_wait3A_95 = arith.constant 0 : i32
      %dma_wait3A_96 = tpu.memref_slice %arg13[%add3A_14, %dma_wait3A_95] : memref<10240x128xf32, #tpu.memory_space<vmem_shared>> -> memref<128x128xf32, #tpu.memory_space<vmem_shared>>
      %dma_wait3A_97 = arith.constant 0 : i32
      %dma_wait3A_98 = tpu.memref_slice %arg13[%add3A_14, %dma_wait3A_97] : memref<10240x128xf32, #tpu.memory_space<vmem_shared>> -> memref<128x128xf32, #tpu.memory_space<vmem_shared>>
      %dma_wait3A_99 = arith.constant 0 : i32
      %dma_wait3A_100 = arith.constant 0 : i32
      %dma_wait3A_101 = tpu.memref_slice %arg8[%run_scoped3A_15, %dma_wait3A_99, %dma_wait3A_100] : memref<2x128x128xf32, #tpu.memory_space<vmem>> -> memref<1x128x128xf32, #tpu.memory_space<vmem>>
      %dma_wait3A_102 = tpu.memref_squeeze %dma_wait3A_101 : memref<1x128x128xf32, #tpu.memory_space<vmem>> -> memref<128x128xf32, #tpu.memory_space<vmem>>
      tpu.wait_dma2 semaphore(%run_scoped3A_78 : memref<!tpu.dma_semaphore, #tpu.memory_space<semaphore_mem>>) src(%dma_wait3A_102 : memref<128x128xf32, #tpu.memory_space<vmem>>) dst(%dma_wait3A_98 : memref<128x128xf32, #tpu.memory_space<vmem_shared>>)
      tpu.yield
    }) : () -> ()
    %mul3A_16 = arith.constant 640 : i32
    %mul3A_17 = arith.muli %arg1, %mul3A_16 : i32
    %add3A_18 = arith.constant 256 : i32
    %add3A_19 = arith.addi %mul3A_17, %add3A_18 : i32
    %run_scoped3A_20 = arith.constant 0 : i32
    "tpu.region"() ({
      %run_scoped3A_78 = tpu.sem_alloc : memref<!tpu.dma_semaphore, #tpu.memory_space<semaphore_mem>>
      %dma_start3A_79 = arith.constant 0 : i32
      %dma_start3A_80 = arith.constant 0 : i32
      %dma_start3A_81 = tpu.memref_slice %arg8[%run_scoped3A_20, %dma_start3A_79, %dma_start3A_80] : memref<2x128x128xf32, #tpu.memory_space<vmem>> -> memref<1x128x128xf32, #tpu.memory_space<vmem>>
      %dma_start3A_82 = tpu.memref_squeeze %dma_start3A_81 : memref<1x128x128xf32, #tpu.memory_space<vmem>> -> memref<128x128xf32, #tpu.memory_space<vmem>>
      %dma_start3A_83 = arith.constant 0 : i32
      %dma_start3A_84 = tpu.memref_slice %arg13[%add3A_19, %dma_start3A_83] : memref<10240x128xf32, #tpu.memory_space<vmem_shared>> -> memref<128x128xf32, #tpu.memory_space<vmem_shared>>
      %dma_start3A_85 = arith.constant 0 : i32
      %dma_start3A_86 = tpu.memref_slice %arg13[%add3A_19, %dma_start3A_85] : memref<10240x128xf32, #tpu.memory_space<vmem_shared>> -> memref<128x128xf32, #tpu.memory_space<vmem_shared>>
      %dma_start3A_87 = arith.constant 0 : i32
      %dma_start3A_88 = arith.constant 0 : i32
      %dma_start3A_89 = tpu.memref_slice %arg8[%run_scoped3A_20, %dma_start3A_87, %dma_start3A_88] : memref<2x128x128xf32, #tpu.memory_space<vmem>> -> memref<1x128x128xf32, #tpu.memory_space<vmem>>
      %dma_start3A_90 = tpu.memref_squeeze %dma_start3A_89 : memref<1x128x128xf32, #tpu.memory_space<vmem>> -> memref<128x128xf32, #tpu.memory_space<vmem>>
      tpu.enqueue_dma source(%dma_start3A_90 : memref<128x128xf32, #tpu.memory_space<vmem>>) target(%dma_start3A_86 : memref<128x128xf32, #tpu.memory_space<vmem_shared>>) target_semaphore(%run_scoped3A_78 : memref<!tpu.dma_semaphore, #tpu.memory_space<semaphore_mem>>)
      %dma_wait3A_91 = arith.constant 0 : i32
      %dma_wait3A_92 = arith.constant 0 : i32
      %dma_wait3A_93 = tpu.memref_slice %arg8[%run_scoped3A_20, %dma_wait3A_91, %dma_wait3A_92] : memref<2x128x128xf32, #tpu.memory_space<vmem>> -> memref<1x128x128xf32, #tpu.memory_space<vmem>>
      %dma_wait3A_94 = tpu.memref_squeeze %dma_wait3A_93 : memref<1x128x128xf32, #tpu.memory_space<vmem>> -> memref<128x128xf32, #tpu.memory_space<vmem>>
      %dma_wait3A_95 = arith.constant 0 : i32
      %dma_wait3A_96 = tpu.memref_slice %arg13[%add3A_19, %dma_wait3A_95] : memref<10240x128xf32, #tpu.memory_space<vmem_shared>> -> memref<128x128xf32, #tpu.memory_space<vmem_shared>>
      %dma_wait3A_97 = arith.constant 0 : i32
      %dma_wait3A_98 = tpu.memref_slice %arg13[%add3A_19, %dma_wait3A_97] : memref<10240x128xf32, #tpu.memory_space<vmem_shared>> -> memref<128x128xf32, #tpu.memory_space<vmem_shared>>
      %dma_wait3A_99 = arith.constant 0 : i32
      %dma_wait3A_100 = arith.constant 0 : i32
      %dma_wait3A_101 = tpu.memref_slice %arg8[%run_scoped3A_20, %dma_wait3A_99, %dma_wait3A_100] : memref<2x128x128xf32, #tpu.memory_space<vmem>> -> memref<1x128x128xf32, #tpu.memory_space<vmem>>
      %dma_wait3A_102 = tpu.memref_squeeze %dma_wait3A_101 : memref<1x128x128xf32, #tpu.memory_space<vmem>> -> memref<128x128xf32, #tpu.memory_space<vmem>>
      tpu.wait_dma2 semaphore(%run_scoped3A_78 : memref<!tpu.dma_semaphore, #tpu.memory_space<semaphore_mem>>) src(%dma_wait3A_102 : memref<128x128xf32, #tpu.memory_space<vmem>>) dst(%dma_wait3A_98 : memref<128x128xf32, #tpu.memory_space<vmem_shared>>)
      tpu.yield
    }) : () -> ()
    %mul3A_21 = arith.constant 640 : i32
    %mul3A_22 = arith.muli %arg1, %mul3A_21 : i32
    %add3A_23 = arith.constant 384 : i32
    %add3A_24 = arith.addi %mul3A_22, %add3A_23 : i32
    %run_scoped3A_25 = arith.constant 0 : i32
    "tpu.region"() ({
      %run_scoped3A_78 = tpu.sem_alloc : memref<!tpu.dma_semaphore, #tpu.memory_space<semaphore_mem>>
      %dma_start3A_79 = arith.constant 0 : i32
      %dma_start3A_80 = arith.constant 0 : i32
      %dma_start3A_81 = tpu.memref_slice %arg8[%run_scoped3A_25, %dma_start3A_79, %dma_start3A_80] : memref<2x128x128xf32, #tpu.memory_space<vmem>> -> memref<1x128x128xf32, #tpu.memory_space<vmem>>
      %dma_start3A_82 = tpu.memref_squeeze %dma_start3A_81 : memref<1x128x128xf32, #tpu.memory_space<vmem>> -> memref<128x128xf32, #tpu.memory_space<vmem>>
      %dma_start3A_83 = arith.constant 0 : i32
      %dma_start3A_84 = tpu.memref_slice %arg13[%add3A_24, %dma_start3A_83] : memref<10240x128xf32, #tpu.memory_space<vmem_shared>> -> memref<128x128xf32, #tpu.memory_space<vmem_shared>>
      %dma_start3A_85 = arith.constant 0 : i32
      %dma_start3A_86 = tpu.memref_slice %arg13[%add3A_24, %dma_start3A_85] : memref<10240x128xf32, #tpu.memory_space<vmem_shared>> -> memref<128x128xf32, #tpu.memory_space<vmem_shared>>
      %dma_start3A_87 = arith.constant 0 : i32
      %dma_start3A_88 = arith.constant 0 : i32
      %dma_start3A_89 = tpu.memref_slice %arg8[%run_scoped3A_25, %dma_start3A_87, %dma_start3A_88] : memref<2x128x128xf32, #tpu.memory_space<vmem>> -> memref<1x128x128xf32, #tpu.memory_space<vmem>>
      %dma_start3A_90 = tpu.memref_squeeze %dma_start3A_89 : memref<1x128x128xf32, #tpu.memory_space<vmem>> -> memref<128x128xf32, #tpu.memory_space<vmem>>
      tpu.enqueue_dma source(%dma_start3A_90 : memref<128x128xf32, #tpu.memory_space<vmem>>) target(%dma_start3A_86 : memref<128x128xf32, #tpu.memory_space<vmem_shared>>) target_semaphore(%run_scoped3A_78 : memref<!tpu.dma_semaphore, #tpu.memory_space<semaphore_mem>>)
      %dma_wait3A_91 = arith.constant 0 : i32
      %dma_wait3A_92 = arith.constant 0 : i32
      %dma_wait3A_93 = tpu.memref_slice %arg8[%run_scoped3A_25, %dma_wait3A_91, %dma_wait3A_92] : memref<2x128x128xf32, #tpu.memory_space<vmem>> -> memref<1x128x128xf32, #tpu.memory_space<vmem>>
      %dma_wait3A_94 = tpu.memref_squeeze %dma_wait3A_93 : memref<1x128x128xf32, #tpu.memory_space<vmem>> -> memref<128x128xf32, #tpu.memory_space<vmem>>
      %dma_wait3A_95 = arith.constant 0 : i32
      %dma_wait3A_96 = tpu.memref_slice %arg13[%add3A_24, %dma_wait3A_95] : memref<10240x128xf32, #tpu.memory_space<vmem_shared>> -> memref<128x128xf32, #tpu.memory_space<vmem_shared>>
      %dma_wait3A_97 = arith.constant 0 : i32
      %dma_wait3A_98 = tpu.memref_slice %arg13[%add3A_24, %dma_wait3A_97] : memref<10240x128xf32, #tpu.memory_space<vmem_shared>> -> memref<128x128xf32, #tpu.memory_space<vmem_shared>>
      %dma_wait3A_99 = arith.constant 0 : i32
      %dma_wait3A_100 = arith.constant 0 : i32
      %dma_wait3A_101 = tpu.memref_slice %arg8[%run_scoped3A_25, %dma_wait3A_99, %dma_wait3A_100] : memref<2x128x128xf32, #tpu.memory_space<vmem>> -> memref<1x128x128xf32, #tpu.memory_space<vmem>>
      %dma_wait3A_102 = tpu.memref_squeeze %dma_wait3A_101 : memref<1x128x128xf32, #tpu.memory_space<vmem>> -> memref<128x128xf32, #tpu.memory_space<vmem>>
      tpu.wait_dma2 semaphore(%run_scoped3A_78 : memref<!tpu.dma_semaphore, #tpu.memory_space<semaphore_mem>>) src(%dma_wait3A_102 : memref<128x128xf32, #tpu.memory_space<vmem>>) dst(%dma_wait3A_98 : memref<128x128xf32, #tpu.memory_space<vmem_shared>>)
      tpu.yield
    }) : () -> ()
    %mul3A_26 = arith.constant 640 : i32
    %mul3A_27 = arith.muli %arg1, %mul3A_26 : i32
    %add3A_28 = arith.constant 512 : i32
    %add3A_29 = arith.addi %mul3A_27, %add3A_28 : i32
    %run_scoped3A_30 = arith.constant 0 : i32
    "tpu.region"() ({
      %run_scoped3A_78 = tpu.sem_alloc : memref<!tpu.dma_semaphore, #tpu.memory_space<semaphore_mem>>
      %dma_start3A_79 = arith.constant 0 : i32
      %dma_start3A_80 = arith.constant 0 : i32
      %dma_start3A_81 = tpu.memref_slice %arg8[%run_scoped3A_30, %dma_start3A_79, %dma_start3A_80] : memref<2x128x128xf32, #tpu.memory_space<vmem>> -> memref<1x128x128xf32, #tpu.memory_space<vmem>>
      %dma_start3A_82 = tpu.memref_squeeze %dma_start3A_81 : memref<1x128x128xf32, #tpu.memory_space<vmem>> -> memref<128x128xf32, #tpu.memory_space<vmem>>
      %dma_start3A_83 = arith.constant 0 : i32
      %dma_start3A_84 = tpu.memref_slice %arg13[%add3A_29, %dma_start3A_83] : memref<10240x128xf32, #tpu.memory_space<vmem_shared>> -> memref<128x128xf32, #tpu.memory_space<vmem_shared>>
      %dma_start3A_85 = arith.constant 0 : i32
      %dma_start3A_86 = tpu.memref_slice %arg13[%add3A_29, %dma_start3A_85] : memref<10240x128xf32, #tpu.memory_space<vmem_shared>> -> memref<128x128xf32, #tpu.memory_space<vmem_shared>>
      %dma_start3A_87 = arith.constant 0 : i32
      %dma_start3A_88 = arith.constant 0 : i32
      %dma_start3A_89 = tpu.memref_slice %arg8[%run_scoped3A_30, %dma_start3A_87, %dma_start3A_88] : memref<2x128x128xf32, #tpu.memory_space<vmem>> -> memref<1x128x128xf32, #tpu.memory_space<vmem>>
      %dma_start3A_90 = tpu.memref_squeeze %dma_start3A_89 : memref<1x128x128xf32, #tpu.memory_space<vmem>> -> memref<128x128xf32, #tpu.memory_space<vmem>>
      tpu.enqueue_dma source(%dma_start3A_90 : memref<128x128xf32, #tpu.memory_space<vmem>>) target(%dma_start3A_86 : memref<128x128xf32, #tpu.memory_space<vmem_shared>>) target_semaphore(%run_scoped3A_78 : memref<!tpu.dma_semaphore, #tpu.memory_space<semaphore_mem>>)
      %dma_wait3A_91 = arith.constant 0 : i32
      %dma_wait3A_92 = arith.constant 0 : i32
      %dma_wait3A_93 = tpu.memref_slice %arg8[%run_scoped3A_30, %dma_wait3A_91, %dma_wait3A_92] : memref<2x128x128xf32, #tpu.memory_space<vmem>> -> memref<1x128x128xf32, #tpu.memory_space<vmem>>
      %dma_wait3A_94 = tpu.memref_squeeze %dma_wait3A_93 : memref<1x128x128xf32, #tpu.memory_space<vmem>> -> memref<128x128xf32, #tpu.memory_space<vmem>>
      %dma_wait3A_95 = arith.constant 0 : i32
      %dma_wait3A_96 = tpu.memref_slice %arg13[%add3A_29, %dma_wait3A_95] : memref<10240x128xf32, #tpu.memory_space<vmem_shared>> -> memref<128x128xf32, #tpu.memory_space<vmem_shared>>
      %dma_wait3A_97 = arith.constant 0 : i32
      %dma_wait3A_98 = tpu.memref_slice %arg13[%add3A_29, %dma_wait3A_97] : memref<10240x128xf32, #tpu.memory_space<vmem_shared>> -> memref<128x128xf32, #tpu.memory_space<vmem_shared>>
      %dma_wait3A_99 = arith.constant 0 : i32
      %dma_wait3A_100 = arith.constant 0 : i32
      %dma_wait3A_101 = tpu.memref_slice %arg8[%run_scoped3A_30, %dma_wait3A_99, %dma_wait3A_100] : memref<2x128x128xf32, #tpu.memory_space<vmem>> -> memref<1x128x128xf32, #tpu.memory_space<vmem>>
      %dma_wait3A_102 = tpu.memref_squeeze %dma_wait3A_101 : memref<1x128x128xf32, #tpu.memory_space<vmem>> -> memref<128x128xf32, #tpu.memory_space<vmem>>
      tpu.wait_dma2 semaphore(%run_scoped3A_78 : memref<!tpu.dma_semaphore, #tpu.memory_space<semaphore_mem>>) src(%dma_wait3A_102 : memref<128x128xf32, #tpu.memory_space<vmem>>) dst(%dma_wait3A_98 : memref<128x128xf32, #tpu.memory_space<vmem_shared>>)
      tpu.yield
    }) : () -> ()
    "tpu.region"() ({
      %run_scoped3A_78 = tpu.sem_alloc : memref<!tpu.dma_semaphore, #tpu.memory_space<semaphore_mem>>
      %dma_start3A_79 = arith.constant 0 : i32
      %dma_start3A_80 = arith.constant 0 : i32
      %dma_start3A_81 = tpu.memref_slice %arg4[%add3A, %dma_start3A_79, %dma_start3A_80] : memref<32x80x128xi32, #tpu.memory_space<hbm>> -> memref<1x80x128xi32, #tpu.memory_space<hbm>>
      %dma_start3A_82 = tpu.memref_squeeze %dma_start3A_81 : memref<1x80x128xi32, #tpu.memory_space<hbm>> -> memref<80x128xi32, #tpu.memory_space<hbm>>
      %dma_start3A_83 = arith.constant 0 : i32
      %dma_start3A_84 = arith.constant 0 : i32
      %dma_start3A_85 = tpu.memref_slice %arg4[%add3A, %dma_start3A_83, %dma_start3A_84] : memref<32x80x128xi32, #tpu.memory_space<hbm>> -> memref<1x80x128xi32, #tpu.memory_space<hbm>>
      %dma_start3A_86 = tpu.memref_squeeze %dma_start3A_85 : memref<1x80x128xi32, #tpu.memory_space<hbm>> -> memref<80x128xi32, #tpu.memory_space<hbm>>
      tpu.enqueue_dma source(%dma_start3A_86 : memref<80x128xi32, #tpu.memory_space<hbm>>) target(%arg7 : memref<80x128xi32, #tpu.memory_space<vmem>>) target_semaphore(%run_scoped3A_78 : memref<!tpu.dma_semaphore, #tpu.memory_space<semaphore_mem>>)
      %dma_wait3A_87 = arith.constant 0 : i32
      %dma_wait3A_88 = arith.constant 0 : i32
      %dma_wait3A_89 = tpu.memref_slice %arg4[%add3A, %dma_wait3A_87, %dma_wait3A_88] : memref<32x80x128xi32, #tpu.memory_space<hbm>> -> memref<1x80x128xi32, #tpu.memory_space<hbm>>
      %dma_wait3A_90 = tpu.memref_squeeze %dma_wait3A_89 : memref<1x80x128xi32, #tpu.memory_space<hbm>> -> memref<80x128xi32, #tpu.memory_space<hbm>>
      %dma_wait3A_91 = arith.constant 0 : i32
      %dma_wait3A_92 = arith.constant 0 : i32
      %dma_wait3A_93 = tpu.memref_slice %arg4[%add3A, %dma_wait3A_91, %dma_wait3A_92] : memref<32x80x128xi32, #tpu.memory_space<hbm>> -> memref<1x80x128xi32, #tpu.memory_space<hbm>>
      %dma_wait3A_94 = tpu.memref_squeeze %dma_wait3A_93 : memref<1x80x128xi32, #tpu.memory_space<hbm>> -> memref<80x128xi32, #tpu.memory_space<hbm>>
      tpu.wait_dma2 semaphore(%run_scoped3A_78 : memref<!tpu.dma_semaphore, #tpu.memory_space<semaphore_mem>>) src(%dma_wait3A_94 : memref<80x128xi32, #tpu.memory_space<hbm>>) dst(%arg7 : memref<80x128xi32, #tpu.memory_space<vmem>>)
      tpu.yield
    }) : () -> ()
    %barrier3A = arith.constant 0 : index
    tpu.barrier barrier_id(%barrier3A)
    %run_scoped3A_31 = arith.constant 0 : i32
    %run_scoped3A_32 = arith.constant 0 : i32
    "tpu.region"() ({
      %run_scoped3A_78 = tpu.sem_alloc : memref<!tpu.dma_semaphore, #tpu.memory_space<semaphore_mem>>
      %dma_start3A_79 = arith.constant 0 : i32
      %dma_start3A_80 = tpu.memref_slice %arg6[%run_scoped3A_32, %dma_start3A_79] : memref<2x128xi32, #tpu.memory_space<vmem>> -> memref<1x128xi32, #tpu.memory_space<vmem>>
      %dma_start3A_81 = tpu.memref_squeeze %dma_start3A_80 : memref<1x128xi32, #tpu.memory_space<vmem>> -> memref<128xi32, #tpu.memory_space<vmem>>
      %dma_start3A_82 = arith.constant 0 : i32
      %dma_start3A_83 = tpu.memref_slice %arg3[%add3A, %run_scoped3A_31, %dma_start3A_82] : memref<32x80x128xi32, #tpu.memory_space<hbm>> -> memref<1x1x128xi32, #tpu.memory_space<hbm>>
      %dma_start3A_84 = tpu.memref_squeeze %dma_start3A_83 : memref<1x1x128xi32, #tpu.memory_space<hbm>> -> memref<128xi32, #tpu.memory_space<hbm>>
      %dma_start3A_85 = arith.constant 0 : i32
      %dma_start3A_86 = tpu.memref_slice %arg6[%run_scoped3A_32, %dma_start3A_85] : memref<2x128xi32, #tpu.memory_space<vmem>> -> memref<1x128xi32, #tpu.memory_space<vmem>>
      %dma_start3A_87 = tpu.memref_squeeze %dma_start3A_86 : memref<1x128xi32, #tpu.memory_space<vmem>> -> memref<128xi32, #tpu.memory_space<vmem>>
      %dma_start3A_88 = arith.constant 0 : i32
      %dma_start3A_89 = tpu.memref_slice %arg3[%add3A, %run_scoped3A_31, %dma_start3A_88] : memref<32x80x128xi32, #tpu.memory_space<hbm>> -> memref<1x1x128xi32, #tpu.memory_space<hbm>>
      %dma_start3A_90 = tpu.memref_squeeze %dma_start3A_89 : memref<1x1x128xi32, #tpu.memory_space<hbm>> -> memref<128xi32, #tpu.memory_space<hbm>>
      tpu.enqueue_dma source(%dma_start3A_90 : memref<128xi32, #tpu.memory_space<hbm>>) target(%dma_start3A_87 : memref<128xi32, #tpu.memory_space<vmem>>) target_semaphore(%run_scoped3A_78 : memref<!tpu.dma_semaphore, #tpu.memory_space<semaphore_mem>>)
      %dma_wait3A_91 = arith.constant 0 : i32
      %dma_wait3A_92 = tpu.memref_slice %arg6[%run_scoped3A_32, %dma_wait3A_91] : memref<2x128xi32, #tpu.memory_space<vmem>> -> memref<1x128xi32, #tpu.memory_space<vmem>>
      %dma_wait3A_93 = tpu.memref_squeeze %dma_wait3A_92 : memref<1x128xi32, #tpu.memory_space<vmem>> -> memref<128xi32, #tpu.memory_space<vmem>>
      %dma_wait3A_94 = arith.constant 0 : i32
      %dma_wait3A_95 = tpu.memref_slice %arg3[%add3A, %run_scoped3A_31, %dma_wait3A_94] : memref<32x80x128xi32, #tpu.memory_space<hbm>> -> memref<1x1x128xi32, #tpu.memory_space<hbm>>
      %dma_wait3A_96 = tpu.memref_squeeze %dma_wait3A_95 : memref<1x1x128xi32, #tpu.memory_space<hbm>> -> memref<128xi32, #tpu.memory_space<hbm>>
      %dma_wait3A_97 = arith.constant 0 : i32
      %dma_wait3A_98 = tpu.memref_slice %arg6[%run_scoped3A_32, %dma_wait3A_97] : memref<2x128xi32, #tpu.memory_space<vmem>> -> memref<1x128xi32, #tpu.memory_space<vmem>>
      %dma_wait3A_99 = tpu.memref_squeeze %dma_wait3A_98 : memref<1x128xi32, #tpu.memory_space<vmem>> -> memref<128xi32, #tpu.memory_space<vmem>>
      %dma_wait3A_100 = arith.constant 0 : i32
      %dma_wait3A_101 = tpu.memref_slice %arg3[%add3A, %run_scoped3A_31, %dma_wait3A_100] : memref<32x80x128xi32, #tpu.memory_space<hbm>> -> memref<1x1x128xi32, #tpu.memory_space<hbm>>
      %dma_wait3A_102 = tpu.memref_squeeze %dma_wait3A_101 : memref<1x1x128xi32, #tpu.memory_space<hbm>> -> memref<128xi32, #tpu.memory_space<hbm>>
      tpu.wait_dma2 semaphore(%run_scoped3A_78 : memref<!tpu.dma_semaphore, #tpu.memory_space<semaphore_mem>>) src(%dma_wait3A_102 : memref<128xi32, #tpu.memory_space<hbm>>) dst(%dma_wait3A_99 : memref<128xi32, #tpu.memory_space<vmem>>)
      tpu.yield
    }) : () -> ()
    %dma_start3A = arith.constant 0 : i32
    %dma_start3A_33 = arith.constant 0 : i32
    %dma_start3A_34 = arith.constant 0 : i32
    %dma_start3A_35 = arith.constant 0 : i32
    %dma_start3A_36 = tpu.memref_slice %arg8[%dma_start3A_33, %dma_start3A_34, %dma_start3A_35] : memref<2x128x128xf32, #tpu.memory_space<vmem>> -> memref<1x128x128xf32, #tpu.memory_space<vmem>>
    %dma_start3A_37 = tpu.memref_squeeze %dma_start3A_36 : memref<1x128x128xf32, #tpu.memory_space<vmem>> -> memref<128x128xf32, #tpu.memory_space<vmem>>
    %dma_start3A_38 = arith.constant 0 : i32
    %dma_start3A_39 = tpu.memref_slice %arg6[%dma_start3A, %dma_start3A_38] : memref<2x128xi32, #tpu.memory_space<vmem>> -> memref<1x128xi32, #tpu.memory_space<vmem>>
    %dma_start3A_40 = tpu.memref_squeeze %dma_start3A_39 : memref<1x128xi32, #tpu.memory_space<vmem>> -> memref<128xi32, #tpu.memory_space<vmem>>
    %dma_start3A_41 = arith.constant 0 : i32
    %dma_start3A_42 = arith.constant 0 : i32
    %dma_start3A_43 = tpu.memref_slice %arg2[%dma_start3A_41, %dma_start3A_42] : memref<10000x128xf32, #tpu.memory_space<hbm>> -> memref<10000x128xf32, #tpu.memory_space<hbm>>
    tpu.enqueue_indirect_dma source(%dma_start3A_43 : memref<10000x128xf32, #tpu.memory_space<hbm>>) target(%dma_start3A_37 : memref<128x128xf32, #tpu.memory_space<vmem>>) offsets(%dma_start3A_40 : memref<128xi32, #tpu.memory_space<vmem>>) semaphore(%arg9 : memref<!tpu.dma_semaphore, #tpu.memory_space<semaphore_mem>>)
    %scan3A_44 = arith.constant 0 : i32
    %scan3A_45 = arith.constant 0 : i32
    %scan3A_46 = arith.constant 40 : i32
    %scan3A_47 = arith.addi %scan3A_45, %scan3A_46 : i32
    %scan3A_48 = arith.constant 1 : i32
    scf.for %scan3A_78 = %scan3A_45 to %scan3A_47 step %scan3A_48  : i32 {
      %mul3A_79 = arith.constant 2 : i32
      %mul3A_80 = arith.muli %mul3A_79, %scan3A_78 : i32
      %gt3A = arith.constant 0 : i32
      %gt3A_81 = arith.cmpi sgt, %scan3A_78, %gt3A : i32
      %convert_element_type3A = arith.extui %gt3A_81 : i1 to i32
      %cond3A = arith.constant 0 : i32
      %cond3A_82 = arith.cmpi ne, %convert_element_type3A, %cond3A : i32
      scf.if %cond3A_82 {
        %sub3A = arith.constant 1 : i32
        %sub3A_155 = arith.subi %mul3A_80, %sub3A : i32
        %dma_wait3A_156 = arith.constant 1 : i32
        %dma_wait3A_157 = arith.constant 0 : i32
        %dma_wait3A_158 = arith.constant 0 : i32
        %dma_wait3A_159 = tpu.memref_slice %arg8[%dma_wait3A_156, %dma_wait3A_157, %dma_wait3A_158] : memref<2x128x128xf32, #tpu.memory_space<vmem>> -> memref<1x128x128xf32, #tpu.memory_space<vmem>>
        %dma_wait3A_160 = tpu.memref_squeeze %dma_wait3A_159 : memref<1x128x128xf32, #tpu.memory_space<vmem>> -> memref<128x128xf32, #tpu.memory_space<vmem>>
        %dma_wait3A_161 = arith.constant 0 : i32
        %dma_wait3A_162 = tpu.memref_slice %arg7[%sub3A_155, %dma_wait3A_161] : memref<80x128xi32, #tpu.memory_space<vmem>> -> memref<1x128xi32, #tpu.memory_space<vmem>>
        %dma_wait3A_163 = tpu.memref_squeeze %dma_wait3A_162 : memref<1x128xi32, #tpu.memory_space<vmem>> -> memref<128xi32, #tpu.memory_space<vmem>>
        %dma_wait3A_164 = arith.constant 0 : i32
        %dma_wait3A_165 = arith.constant 0 : i32
        %dma_wait3A_166 = tpu.memref_slice %arg13[%dma_wait3A_164, %dma_wait3A_165] : memref<10240x128xf32, #tpu.memory_space<vmem_shared>> -> memref<10240x128xf32, #tpu.memory_space<vmem_shared>>
        tpu.wait_indirect_dma semaphore(%arg12 : memref<!tpu.dma_semaphore, #tpu.memory_space<semaphore_mem>>) src(%dma_wait3A_160 : memref<128x128xf32, #tpu.memory_space<vmem>>) dst(%dma_wait3A_166 : memref<10240x128xf32, #tpu.memory_space<vmem_shared>>)
      } else {
      }
      %add3A_83 = arith.constant 1 : i32
      %add3A_84 = arith.addi %mul3A_80, %add3A_83 : i32
      %run_scoped3A_85 = arith.constant 1 : i32
      "tpu.region"() ({
        %run_scoped3A_155 = tpu.sem_alloc : memref<!tpu.dma_semaphore, #tpu.memory_space<semaphore_mem>>
        %dma_start3A_156 = arith.constant 0 : i32
        %dma_start3A_157 = tpu.memref_slice %arg6[%run_scoped3A_85, %dma_start3A_156] : memref<2x128xi32, #tpu.memory_space<vmem>> -> memref<1x128xi32, #tpu.memory_space<vmem>>
        %dma_start3A_158 = tpu.memref_squeeze %dma_start3A_157 : memref<1x128xi32, #tpu.memory_space<vmem>> -> memref<128xi32, #tpu.memory_space<vmem>>
        %dma_start3A_159 = arith.constant 0 : i32
        %dma_start3A_160 = tpu.memref_slice %arg3[%add3A, %add3A_84, %dma_start3A_159] : memref<32x80x128xi32, #tpu.memory_space<hbm>> -> memref<1x1x128xi32, #tpu.memory_space<hbm>>
        %dma_start3A_161 = tpu.memref_squeeze %dma_start3A_160 : memref<1x1x128xi32, #tpu.memory_space<hbm>> -> memref<128xi32, #tpu.memory_space<hbm>>
        %dma_start3A_162 = arith.constant 0 : i32
        %dma_start3A_163 = tpu.memref_slice %arg6[%run_scoped3A_85, %dma_start3A_162] : memref<2x128xi32, #tpu.memory_space<vmem>> -> memref<1x128xi32, #tpu.memory_space<vmem>>
        %dma_start3A_164 = tpu.memref_squeeze %dma_start3A_163 : memref<1x128xi32, #tpu.memory_space<vmem>> -> memref<128xi32, #tpu.memory_space<vmem>>
        %dma_start3A_165 = arith.constant 0 : i32
        %dma_start3A_166 = tpu.memref_slice %arg3[%add3A, %add3A_84, %dma_start3A_165] : memref<32x80x128xi32, #tpu.memory_space<hbm>> -> memref<1x1x128xi32, #tpu.memory_space<hbm>>
        %dma_start3A_167 = tpu.memref_squeeze %dma_start3A_166 : memref<1x1x128xi32, #tpu.memory_space<hbm>> -> memref<128xi32, #tpu.memory_space<hbm>>
        tpu.enqueue_dma source(%dma_start3A_167 : memref<128xi32, #tpu.memory_space<hbm>>) target(%dma_start3A_164 : memref<128xi32, #tpu.memory_space<vmem>>) target_semaphore(%run_scoped3A_155 : memref<!tpu.dma_semaphore, #tpu.memory_space<semaphore_mem>>)
        %dma_wait3A_168 = arith.constant 0 : i32
        %dma_wait3A_169 = tpu.memref_slice %arg6[%run_scoped3A_85, %dma_wait3A_168] : memref<2x128xi32, #tpu.memory_space<vmem>> -> memref<1x128xi32, #tpu.memory_space<vmem>>
        %dma_wait3A_170 = tpu.memref_squeeze %dma_wait3A_169 : memref<1x128xi32, #tpu.memory_space<vmem>> -> memref<128xi32, #tpu.memory_space<vmem>>
        %dma_wait3A_171 = arith.constant 0 : i32
        %dma_wait3A_172 = tpu.memref_slice %arg3[%add3A, %add3A_84, %dma_wait3A_171] : memref<32x80x128xi32, #tpu.memory_space<hbm>> -> memref<1x1x128xi32, #tpu.memory_space<hbm>>
        %dma_wait3A_173 = tpu.memref_squeeze %dma_wait3A_172 : memref<1x1x128xi32, #tpu.memory_space<hbm>> -> memref<128xi32, #tpu.memory_space<hbm>>
        %dma_wait3A_174 = arith.constant 0 : i32
        %dma_wait3A_175 = tpu.memref_slice %arg6[%run_scoped3A_85, %dma_wait3A_174] : memref<2x128xi32, #tpu.memory_space<vmem>> -> memref<1x128xi32, #tpu.memory_space<vmem>>
        %dma_wait3A_176 = tpu.memref_squeeze %dma_wait3A_175 : memref<1x128xi32, #tpu.memory_space<vmem>> -> memref<128xi32, #tpu.memory_space<vmem>>
        %dma_wait3A_177 = arith.constant 0 : i32
        %dma_wait3A_178 = tpu.memref_slice %arg3[%add3A, %add3A_84, %dma_wait3A_177] : memref<32x80x128xi32, #tpu.memory_space<hbm>> -> memref<1x1x128xi32, #tpu.memory_space<hbm>>
        %dma_wait3A_179 = tpu.memref_squeeze %dma_wait3A_178 : memref<1x1x128xi32, #tpu.memory_space<hbm>> -> memref<128xi32, #tpu.memory_space<hbm>>
        tpu.wait_dma2 semaphore(%run_scoped3A_155 : memref<!tpu.dma_semaphore, #tpu.memory_space<semaphore_mem>>) src(%dma_wait3A_179 : memref<128xi32, #tpu.memory_space<hbm>>) dst(%dma_wait3A_176 : memref<128xi32, #tpu.memory_space<vmem>>)
        tpu.yield
      }) : () -> ()
      %dma_start3A_86 = arith.constant 1 : i32
      %dma_start3A_87 = arith.constant 1 : i32
      %dma_start3A_88 = arith.constant 0 : i32
      %dma_start3A_89 = arith.constant 0 : i32
      %dma_start3A_90 = tpu.memref_slice %arg8[%dma_start3A_87, %dma_start3A_88, %dma_start3A_89] : memref<2x128x128xf32, #tpu.memory_space<vmem>> -> memref<1x128x128xf32, #tpu.memory_space<vmem>>
      %dma_start3A_91 = tpu.memref_squeeze %dma_start3A_90 : memref<1x128x128xf32, #tpu.memory_space<vmem>> -> memref<128x128xf32, #tpu.memory_space<vmem>>
      %dma_start3A_92 = arith.constant 0 : i32
      %dma_start3A_93 = tpu.memref_slice %arg6[%dma_start3A_86, %dma_start3A_92] : memref<2x128xi32, #tpu.memory_space<vmem>> -> memref<1x128xi32, #tpu.memory_space<vmem>>
      %dma_start3A_94 = tpu.memref_squeeze %dma_start3A_93 : memref<1x128xi32, #tpu.memory_space<vmem>> -> memref<128xi32, #tpu.memory_space<vmem>>
      %dma_start3A_95 = arith.constant 0 : i32
      %dma_start3A_96 = arith.constant 0 : i32
      %dma_start3A_97 = tpu.memref_slice %arg2[%dma_start3A_95, %dma_start3A_96] : memref<10000x128xf32, #tpu.memory_space<hbm>> -> memref<10000x128xf32, #tpu.memory_space<hbm>>
      tpu.enqueue_indirect_dma source(%dma_start3A_97 : memref<10000x128xf32, #tpu.memory_space<hbm>>) target(%dma_start3A_91 : memref<128x128xf32, #tpu.memory_space<vmem>>) offsets(%dma_start3A_94 : memref<128xi32, #tpu.memory_space<vmem>>) semaphore(%arg10 : memref<!tpu.dma_semaphore, #tpu.memory_space<semaphore_mem>>)
      %dma_wait3A_98 = arith.constant 0 : i32
      %dma_wait3A_99 = arith.constant 0 : i32
      %dma_wait3A_100 = arith.constant 0 : i32
      %dma_wait3A_101 = arith.constant 0 : i32
      %dma_wait3A_102 = tpu.memref_slice %arg8[%dma_wait3A_99, %dma_wait3A_100, %dma_wait3A_101] : memref<2x128x128xf32, #tpu.memory_space<vmem>> -> memref<1x128x128xf32, #tpu.memory_space<vmem>>
      %dma_wait3A_103 = tpu.memref_squeeze %dma_wait3A_102 : memref<1x128x128xf32, #tpu.memory_space<vmem>> -> memref<128x128xf32, #tpu.memory_space<vmem>>
      %dma_wait3A_104 = arith.constant 0 : i32
      %dma_wait3A_105 = tpu.memref_slice %arg6[%dma_wait3A_98, %dma_wait3A_104] : memref<2x128xi32, #tpu.memory_space<vmem>> -> memref<1x128xi32, #tpu.memory_space<vmem>>
      %dma_wait3A_106 = tpu.memref_squeeze %dma_wait3A_105 : memref<1x128xi32, #tpu.memory_space<vmem>> -> memref<128xi32, #tpu.memory_space<vmem>>
      %dma_wait3A_107 = arith.constant 0 : i32
      %dma_wait3A_108 = arith.constant 0 : i32
      %dma_wait3A_109 = tpu.memref_slice %arg2[%dma_wait3A_107, %dma_wait3A_108] : memref<10000x128xf32, #tpu.memory_space<hbm>> -> memref<10000x128xf32, #tpu.memory_space<hbm>>
      tpu.wait_indirect_dma semaphore(%arg9 : memref<!tpu.dma_semaphore, #tpu.memory_space<semaphore_mem>>) src(%dma_wait3A_109 : memref<10000x128xf32, #tpu.memory_space<hbm>>) dst(%dma_wait3A_103 : memref<128x128xf32, #tpu.memory_space<vmem>>)
      %dma_start3A_110 = arith.constant 0 : i32
      %dma_start3A_111 = arith.constant 0 : i32
      %dma_start3A_112 = arith.constant 0 : i32
      %dma_start3A_113 = tpu.memref_slice %arg8[%dma_start3A_110, %dma_start3A_111, %dma_start3A_112] : memref<2x128x128xf32, #tpu.memory_space<vmem>> -> memref<1x128x128xf32, #tpu.memory_space<vmem>>
      %dma_start3A_114 = tpu.memref_squeeze %dma_start3A_113 : memref<1x128x128xf32, #tpu.memory_space<vmem>> -> memref<128x128xf32, #tpu.memory_space<vmem>>
      %dma_start3A_115 = arith.constant 0 : i32
      %dma_start3A_116 = tpu.memref_slice %arg7[%mul3A_80, %dma_start3A_115] : memref<80x128xi32, #tpu.memory_space<vmem>> -> memref<1x128xi32, #tpu.memory_space<vmem>>
      %dma_start3A_117 = tpu.memref_squeeze %dma_start3A_116 : memref<1x128xi32, #tpu.memory_space<vmem>> -> memref<128xi32, #tpu.memory_space<vmem>>
      %dma_start3A_118 = arith.constant 0 : i32
      %dma_start3A_119 = arith.constant 0 : i32
      %dma_start3A_120 = tpu.memref_slice %arg13[%dma_start3A_118, %dma_start3A_119] : memref<10240x128xf32, #tpu.memory_space<vmem_shared>> -> memref<10240x128xf32, #tpu.memory_space<vmem_shared>>
      tpu.enqueue_indirect_dma source(%dma_start3A_114 : memref<128x128xf32, #tpu.memory_space<vmem>>) target(%dma_start3A_120 : memref<10240x128xf32, #tpu.memory_space<vmem_shared>>) offsets(%dma_start3A_117 : memref<128xi32, #tpu.memory_space<vmem>>) semaphore(%arg11 : memref<!tpu.dma_semaphore, #tpu.memory_space<semaphore_mem>>) {add = true}
      %lt3A = arith.constant 39 : i32
      %lt3A_121 = arith.cmpi slt, %scan3A_78, %lt3A : i32
      %convert_element_type3A_122 = arith.extui %lt3A_121 : i1 to i32
      %cond3A_123 = arith.constant 0 : i32
      %cond3A_124 = arith.cmpi ne, %convert_element_type3A_122, %cond3A_123 : i32
      scf.if %cond3A_124 {
        %add3A_155 = arith.constant 2 : i32
        %add3A_156 = arith.addi %mul3A_80, %add3A_155 : i32
        %run_scoped3A_157 = arith.constant 0 : i32
        "tpu.region"() ({
          %run_scoped3A_158 = tpu.sem_alloc : memref<!tpu.dma_semaphore, #tpu.memory_space<semaphore_mem>>
          %dma_start3A_159 = arith.constant 0 : i32
          %dma_start3A_160 = tpu.memref_slice %arg6[%run_scoped3A_157, %dma_start3A_159] : memref<2x128xi32, #tpu.memory_space<vmem>> -> memref<1x128xi32, #tpu.memory_space<vmem>>
          %dma_start3A_161 = tpu.memref_squeeze %dma_start3A_160 : memref<1x128xi32, #tpu.memory_space<vmem>> -> memref<128xi32, #tpu.memory_space<vmem>>
          %dma_start3A_162 = arith.constant 0 : i32
          %dma_start3A_163 = tpu.memref_slice %arg3[%add3A, %add3A_156, %dma_start3A_162] : memref<32x80x128xi32, #tpu.memory_space<hbm>> -> memref<1x1x128xi32, #tpu.memory_space<hbm>>
          %dma_start3A_164 = tpu.memref_squeeze %dma_start3A_163 : memref<1x1x128xi32, #tpu.memory_space<hbm>> -> memref<128xi32, #tpu.memory_space<hbm>>
          %dma_start3A_165 = arith.constant 0 : i32
          %dma_start3A_166 = tpu.memref_slice %arg6[%run_scoped3A_157, %dma_start3A_165] : memref<2x128xi32, #tpu.memory_space<vmem>> -> memref<1x128xi32, #tpu.memory_space<vmem>>
          %dma_start3A_167 = tpu.memref_squeeze %dma_start3A_166 : memref<1x128xi32, #tpu.memory_space<vmem>> -> memref<128xi32, #tpu.memory_space<vmem>>
          %dma_start3A_168 = arith.constant 0 : i32
          %dma_start3A_169 = tpu.memref_slice %arg3[%add3A, %add3A_156, %dma_start3A_168] : memref<32x80x128xi32, #tpu.memory_space<hbm>> -> memref<1x1x128xi32, #tpu.memory_space<hbm>>
          %dma_start3A_170 = tpu.memref_squeeze %dma_start3A_169 : memref<1x1x128xi32, #tpu.memory_space<hbm>> -> memref<128xi32, #tpu.memory_space<hbm>>
          tpu.enqueue_dma source(%dma_start3A_170 : memref<128xi32, #tpu.memory_space<hbm>>) target(%dma_start3A_167 : memref<128xi32, #tpu.memory_space<vmem>>) target_semaphore(%run_scoped3A_158 : memref<!tpu.dma_semaphore, #tpu.memory_space<semaphore_mem>>)
          %dma_wait3A_171 = arith.constant 0 : i32
          %dma_wait3A_172 = tpu.memref_slice %arg6[%run_scoped3A_157, %dma_wait3A_171] : memref<2x128xi32, #tpu.memory_space<vmem>> -> memref<1x128xi32, #tpu.memory_space<vmem>>
          %dma_wait3A_173 = tpu.memref_squeeze %dma_wait3A_172 : memref<1x128xi32, #tpu.memory_space<vmem>> -> memref<128xi32, #tpu.memory_space<vmem>>
          %dma_wait3A_174 = arith.constant 0 : i32
          %dma_wait3A_175 = tpu.memref_slice %arg3[%add3A, %add3A_156, %dma_wait3A_174] : memref<32x80x128xi32, #tpu.memory_space<hbm>> -> memref<1x1x128xi32, #tpu.memory_space<hbm>>
          %dma_wait3A_176 = tpu.memref_squeeze %dma_wait3A_175 : memref<1x1x128xi32, #tpu.memory_space<hbm>> -> memref<128xi32, #tpu.memory_space<hbm>>
          %dma_wait3A_177 = arith.constant 0 : i32
          %dma_wait3A_178 = tpu.memref_slice %arg6[%run_scoped3A_157, %dma_wait3A_177] : memref<2x128xi32, #tpu.memory_space<vmem>> -> memref<1x128xi32, #tpu.memory_space<vmem>>
          %dma_wait3A_179 = tpu.memref_squeeze %dma_wait3A_178 : memref<1x128xi32, #tpu.memory_space<vmem>> -> memref<128xi32, #tpu.memory_space<vmem>>
          %dma_wait3A_180 = arith.constant 0 : i32
          %dma_wait3A_181 = tpu.memref_slice %arg3[%add3A, %add3A_156, %dma_wait3A_180] : memref<32x80x128xi32, #tpu.memory_space<hbm>> -> memref<1x1x128xi32, #tpu.memory_space<hbm>>
          %dma_wait3A_182 = tpu.memref_squeeze %dma_wait3A_181 : memref<1x1x128xi32, #tpu.memory_space<hbm>> -> memref<128xi32, #tpu.memory_space<hbm>>
          tpu.wait_dma2 semaphore(%run_scoped3A_158 : memref<!tpu.dma_semaphore, #tpu.memory_space<semaphore_mem>>) src(%dma_wait3A_182 : memref<128xi32, #tpu.memory_space<hbm>>) dst(%dma_wait3A_179 : memref<128xi32, #tpu.memory_space<vmem>>)
          tpu.yield
        }) : () -> ()
      } else {
      }
      %dma_wait3A_125 = arith.constant 1 : i32
      %dma_wait3A_126 = arith.constant 1 : i32
      %dma_wait3A_127 = arith.constant 0 : i32
      %dma_wait3A_128 = arith.constant 0 : i32
      %dma_wait3A_129 = tpu.memref_slice %arg8[%dma_wait3A_126, %dma_wait3A_127, %dma_wait3A_128] : memref<2x128x128xf32, #tpu.memory_space<vmem>> -> memref<1x128x128xf32, #tpu.memory_space<vmem>>
      %dma_wait3A_130 = tpu.memref_squeeze %dma_wait3A_129 : memref<1x128x128xf32, #tpu.memory_space<vmem>> -> memref<128x128xf32, #tpu.memory_space<vmem>>
      %dma_wait3A_131 = arith.constant 0 : i32
      %dma_wait3A_132 = tpu.memref_slice %arg6[%dma_wait3A_125, %dma_wait3A_131] : memref<2x128xi32, #tpu.memory_space<vmem>> -> memref<1x128xi32, #tpu.memory_space<vmem>>
      %dma_wait3A_133 = tpu.memref_squeeze %dma_wait3A_132 : memref<1x128xi32, #tpu.memory_space<vmem>> -> memref<128xi32, #tpu.memory_space<vmem>>
      %dma_wait3A_134 = arith.constant 0 : i32
      %dma_wait3A_135 = arith.constant 0 : i32
      %dma_wait3A_136 = tpu.memref_slice %arg2[%dma_wait3A_134, %dma_wait3A_135] : memref<10000x128xf32, #tpu.memory_space<hbm>> -> memref<10000x128xf32, #tpu.memory_space<hbm>>
      tpu.wait_indirect_dma semaphore(%arg10 : memref<!tpu.dma_semaphore, #tpu.memory_space<semaphore_mem>>) src(%dma_wait3A_136 : memref<10000x128xf32, #tpu.memory_space<hbm>>) dst(%dma_wait3A_130 : memref<128x128xf32, #tpu.memory_space<vmem>>)
      %add3A_137 = arith.constant 1 : i32
      %add3A_138 = arith.addi %mul3A_80, %add3A_137 : i32
      %dma_start3A_139 = arith.constant 1 : i32
      %dma_start3A_140 = arith.constant 0 : i32
      %dma_start3A_141 = arith.constant 0 : i32
      %dma_start3A_142 = tpu.memref_slice %arg8[%dma_start3A_139, %dma_start3A_140, %dma_start3A_141] : memref<2x128x128xf32, #tpu.memory_space<vmem>> -> memref<1x128x128xf32, #tpu.memory_space<vmem>>
      %dma_start3A_143 = tpu.memref_squeeze %dma_start3A_142 : memref<1x128x128xf32, #tpu.memory_space<vmem>> -> memref<128x128xf32, #tpu.memory_space<vmem>>
      %dma_start3A_144 = arith.constant 0 : i32
      %dma_start3A_145 = tpu.memref_slice %arg7[%add3A_138, %dma_start3A_144] : memref<80x128xi32, #tpu.memory_space<vmem>> -> memref<1x128xi32, #tpu.memory_space<vmem>>
      %dma_start3A_146 = tpu.memref_squeeze %dma_start3A_145 : memref<1x128xi32, #tpu.memory_space<vmem>> -> memref<128xi32, #tpu.memory_space<vmem>>
      %dma_start3A_147 = arith.constant 0 : i32
      %dma_start3A_148 = arith.constant 0 : i32
      %dma_start3A_149 = tpu.memref_slice %arg13[%dma_start3A_147, %dma_start3A_148] : memref<10240x128xf32, #tpu.memory_space<vmem_shared>> -> memref<10240x128xf32, #tpu.memory_space<vmem_shared>>
      tpu.enqueue_indirect_dma source(%dma_start3A_143 : memref<128x128xf32, #tpu.memory_space<vmem>>) target(%dma_start3A_149 : memref<10240x128xf32, #tpu.memory_space<vmem_shared>>) offsets(%dma_start3A_146 : memref<128xi32, #tpu.memory_space<vmem>>) semaphore(%arg12 : memref<!tpu.dma_semaphore, #tpu.memory_space<semaphore_mem>>) {add = true}
      %lt3A_150 = arith.constant 39 : i32
      %lt3A_151 = arith.cmpi slt, %scan3A_78, %lt3A_150 : i32
      %convert_element_type3A_152 = arith.extui %lt3A_151 : i1 to i32
      %cond3A_153 = arith.constant 0 : i32
      %cond3A_154 = arith.cmpi ne, %convert_element_type3A_152, %cond3A_153 : i32
      scf.if %cond3A_154 {
        %dma_wait3A_155 = arith.constant 0 : i32
        %dma_wait3A_156 = arith.constant 0 : i32
        %dma_wait3A_157 = arith.constant 0 : i32
        %dma_wait3A_158 = tpu.memref_slice %arg8[%dma_wait3A_155, %dma_wait3A_156, %dma_wait3A_157] : memref<2x128x128xf32, #tpu.memory_space<vmem>> -> memref<1x128x128xf32, #tpu.memory_space<vmem>>
        %dma_wait3A_159 = tpu.memref_squeeze %dma_wait3A_158 : memref<1x128x128xf32, #tpu.memory_space<vmem>> -> memref<128x128xf32, #tpu.memory_space<vmem>>
        %dma_wait3A_160 = arith.constant 0 : i32
        %dma_wait3A_161 = tpu.memref_slice %arg7[%mul3A_80, %dma_wait3A_160] : memref<80x128xi32, #tpu.memory_space<vmem>> -> memref<1x128xi32, #tpu.memory_space<vmem>>
        %dma_wait3A_162 = tpu.memref_squeeze %dma_wait3A_161 : memref<1x128xi32, #tpu.memory_space<vmem>> -> memref<128xi32, #tpu.memory_space<vmem>>
        %dma_wait3A_163 = arith.constant 0 : i32
        %dma_wait3A_164 = arith.constant 0 : i32
        %dma_wait3A_165 = tpu.memref_slice %arg13[%dma_wait3A_163, %dma_wait3A_164] : memref<10240x128xf32, #tpu.memory_space<vmem_shared>> -> memref<10240x128xf32, #tpu.memory_space<vmem_shared>>
        tpu.wait_indirect_dma semaphore(%arg11 : memref<!tpu.dma_semaphore, #tpu.memory_space<semaphore_mem>>) src(%dma_wait3A_159 : memref<128x128xf32, #tpu.memory_space<vmem>>) dst(%dma_wait3A_165 : memref<10240x128xf32, #tpu.memory_space<vmem_shared>>)
        %dma_start3A_166 = arith.constant 0 : i32
        %dma_start3A_167 = arith.constant 0 : i32
        %dma_start3A_168 = arith.constant 0 : i32
        %dma_start3A_169 = arith.constant 0 : i32
        %dma_start3A_170 = tpu.memref_slice %arg8[%dma_start3A_167, %dma_start3A_168, %dma_start3A_169] : memref<2x128x128xf32, #tpu.memory_space<vmem>> -> memref<1x128x128xf32, #tpu.memory_space<vmem>>
        %dma_start3A_171 = tpu.memref_squeeze %dma_start3A_170 : memref<1x128x128xf32, #tpu.memory_space<vmem>> -> memref<128x128xf32, #tpu.memory_space<vmem>>
        %dma_start3A_172 = arith.constant 0 : i32
        %dma_start3A_173 = tpu.memref_slice %arg6[%dma_start3A_166, %dma_start3A_172] : memref<2x128xi32, #tpu.memory_space<vmem>> -> memref<1x128xi32, #tpu.memory_space<vmem>>
        %dma_start3A_174 = tpu.memref_squeeze %dma_start3A_173 : memref<1x128xi32, #tpu.memory_space<vmem>> -> memref<128xi32, #tpu.memory_space<vmem>>
        %dma_start3A_175 = arith.constant 0 : i32
        %dma_start3A_176 = arith.constant 0 : i32
        %dma_start3A_177 = tpu.memref_slice %arg2[%dma_start3A_175, %dma_start3A_176] : memref<10000x128xf32, #tpu.memory_space<hbm>> -> memref<10000x128xf32, #tpu.memory_space<hbm>>
        tpu.enqueue_indirect_dma source(%dma_start3A_177 : memref<10000x128xf32, #tpu.memory_space<hbm>>) target(%dma_start3A_171 : memref<128x128xf32, #tpu.memory_space<vmem>>) offsets(%dma_start3A_174 : memref<128xi32, #tpu.memory_space<vmem>>) semaphore(%arg9 : memref<!tpu.dma_semaphore, #tpu.memory_space<semaphore_mem>>)
      } else {
      }
    }
    %scan3A_49 = arith.constant 40 : i32
    %dma_wait3A = arith.constant 0 : i32
    %dma_wait3A_50 = arith.constant 78 : i32
    %dma_wait3A_51 = arith.constant 0 : i32
    %dma_wait3A_52 = arith.constant 0 : i32
    %dma_wait3A_53 = tpu.memref_slice %arg8[%dma_wait3A, %dma_wait3A_51, %dma_wait3A_52] : memref<2x128x128xf32, #tpu.memory_space<vmem>> -> memref<1x128x128xf32, #tpu.memory_space<vmem>>
    %dma_wait3A_54 = tpu.memref_squeeze %dma_wait3A_53 : memref<1x128x128xf32, #tpu.memory_space<vmem>> -> memref<128x128xf32, #tpu.memory_space<vmem>>
    %dma_wait3A_55 = arith.constant 0 : i32
    %dma_wait3A_56 = tpu.memref_slice %arg7[%dma_wait3A_50, %dma_wait3A_55] : memref<80x128xi32, #tpu.memory_space<vmem>> -> memref<1x128xi32, #tpu.memory_space<vmem>>
    %dma_wait3A_57 = tpu.memref_squeeze %dma_wait3A_56 : memref<1x128xi32, #tpu.memory_space<vmem>> -> memref<128xi32, #tpu.memory_space<vmem>>
    %dma_wait3A_58 = arith.constant 0 : i32
    %dma_wait3A_59 = arith.constant 0 : i32
    %dma_wait3A_60 = tpu.memref_slice %arg13[%dma_wait3A_58, %dma_wait3A_59] : memref<10240x128xf32, #tpu.memory_space<vmem_shared>> -> memref<10240x128xf32, #tpu.memory_space<vmem_shared>>
    tpu.wait_indirect_dma semaphore(%arg11 : memref<!tpu.dma_semaphore, #tpu.memory_space<semaphore_mem>>) src(%dma_wait3A_54 : memref<128x128xf32, #tpu.memory_space<vmem>>) dst(%dma_wait3A_60 : memref<10240x128xf32, #tpu.memory_space<vmem_shared>>)
    %dma_wait3A_61 = arith.constant 1 : i32
    %dma_wait3A_62 = arith.constant 79 : i32
    %dma_wait3A_63 = arith.constant 0 : i32
    %dma_wait3A_64 = arith.constant 0 : i32
    %dma_wait3A_65 = tpu.memref_slice %arg8[%dma_wait3A_61, %dma_wait3A_63, %dma_wait3A_64] : memref<2x128x128xf32, #tpu.memory_space<vmem>> -> memref<1x128x128xf32, #tpu.memory_space<vmem>>
    %dma_wait3A_66 = tpu.memref_squeeze %dma_wait3A_65 : memref<1x128x128xf32, #tpu.memory_space<vmem>> -> memref<128x128xf32, #tpu.memory_space<vmem>>
    %dma_wait3A_67 = arith.constant 0 : i32
    %dma_wait3A_68 = tpu.memref_slice %arg7[%dma_wait3A_62, %dma_wait3A_67] : memref<80x128xi32, #tpu.memory_space<vmem>> -> memref<1x128xi32, #tpu.memory_space<vmem>>
    %dma_wait3A_69 = tpu.memref_squeeze %dma_wait3A_68 : memref<1x128xi32, #tpu.memory_space<vmem>> -> memref<128xi32, #tpu.memory_space<vmem>>
    %dma_wait3A_70 = arith.constant 0 : i32
    %dma_wait3A_71 = arith.constant 0 : i32
    %dma_wait3A_72 = tpu.memref_slice %arg13[%dma_wait3A_70, %dma_wait3A_71] : memref<10240x128xf32, #tpu.memory_space<vmem_shared>> -> memref<10240x128xf32, #tpu.memory_space<vmem_shared>>
    tpu.wait_indirect_dma semaphore(%arg12 : memref<!tpu.dma_semaphore, #tpu.memory_space<semaphore_mem>>) src(%dma_wait3A_66 : memref<128x128xf32, #tpu.memory_space<vmem>>) dst(%dma_wait3A_72 : memref<10240x128xf32, #tpu.memory_space<vmem_shared>>)
    %barrier3A_73 = arith.constant 0 : index
    tpu.barrier barrier_id(%barrier3A_73)
    %mul3A_74 = arith.constant 640 : i32
    %mul3A_75 = arith.muli %arg1, %mul3A_74 : i32
    %mul3A_76 = arith.constant 640 : i32
    %mul3A_77 = arith.muli %arg1, %mul3A_76 : i32
    "tpu.region"() ({
      %run_scoped3A_78 = tpu.sem_alloc : memref<!tpu.dma_semaphore, #tpu.memory_space<semaphore_mem>>
      %dma_start3A_79 = arith.constant 0 : i32
      %dma_start3A_80 = tpu.memref_slice %arg5[%arg0, %mul3A_77, %dma_start3A_79] : memref<2x10240x128xf32, #tpu.memory_space<hbm>> -> memref<1x640x128xf32, #tpu.memory_space<hbm>>
      %dma_start3A_81 = tpu.memref_squeeze %dma_start3A_80 : memref<1x640x128xf32, #tpu.memory_space<hbm>> -> memref<640x128xf32, #tpu.memory_space<hbm>>
      %dma_start3A_82 = arith.constant 0 : i32
      %dma_start3A_83 = tpu.memref_slice %arg13[%mul3A_75, %dma_start3A_82] : memref<10240x128xf32, #tpu.memory_space<vmem_shared>> -> memref<640x128xf32, #tpu.memory_space<vmem_shared>>
      tpu.enqueue_dma source(%dma_start3A_83 : memref<640x128xf32, #tpu.memory_space<vmem_shared>>) target(%dma_start3A_81 : memref<640x128xf32, #tpu.memory_space<hbm>>) target_semaphore(%run_scoped3A_78 : memref<!tpu.dma_semaphore, #tpu.memory_space<semaphore_mem>>)
      %dma_wait3A_84 = arith.constant 0 : i32
      %dma_wait3A_85 = tpu.memref_slice %arg5[%arg0, %mul3A_77, %dma_wait3A_84] : memref<2x10240x128xf32, #tpu.memory_space<hbm>> -> memref<1x640x128xf32, #tpu.memory_space<hbm>>
      %dma_wait3A_86 = tpu.memref_squeeze %dma_wait3A_85 : memref<1x640x128xf32, #tpu.memory_space<hbm>> -> memref<640x128xf32, #tpu.memory_space<hbm>>
      %dma_wait3A_87 = arith.constant 0 : i32
      %dma_wait3A_88 = tpu.memref_slice %arg13[%mul3A_75, %dma_wait3A_87] : memref<10240x128xf32, #tpu.memory_space<vmem_shared>> -> memref<640x128xf32, #tpu.memory_space<vmem_shared>>
      tpu.wait_dma2 semaphore(%run_scoped3A_78 : memref<!tpu.dma_semaphore, #tpu.memory_space<semaphore_mem>>) src(%dma_wait3A_88 : memref<640x128xf32, #tpu.memory_space<vmem_shared>>) dst(%dma_wait3A_86 : memref<640x128xf32, #tpu.memory_space<hbm>>)
      tpu.yield
    }) : () -> ()
    return
  }
}

#map = affine_map<(d0, d1) -> (0)>
#map1 = affine_map<(d0, d1) -> (0, 0)>
module attributes {stable_mosaic.version = 14 : i64} {
  func.func @_scalar_agg_kernel(%arg0: i32, %arg1: i32, %arg2: memref<10000xf32, #tpu.memory_space<hbm>>, %arg3: memref<320000xi32, #tpu.memory_space<hbm>>, %arg4: memref<320000xi32, #tpu.memory_space<hbm>>, %arg5: memref<2x10240xf32, #tpu.memory_space<hbm>>, %arg6: memref<10000xi32, #tpu.memory_space<vmem>>, %arg7: memref<10000xi32, #tpu.memory_space<vmem>>, %arg8: memref<10240xf32, #tpu.memory_space<vmem>>, %arg9: memref<10240xf32, #tpu.memory_space<vmem>>, %arg10: memref<640xf32, #tpu.memory_space<vmem>>, %arg11: memref<16x640xf32, #tpu.memory_space<vmem>>, %arg12: memref<16x10240xf32, #tpu.memory_space<vmem_shared>>) attributes {dimension_semantics = [#tpu.dimension_semantics<core_parallel>, #tpu.dimension_semantics<subcore_parallel>], iteration_bounds = array<i64: 2, 16>, scalar_prefetch = 0 : i64, scratch_operands = 7 : i64, tpu.core_type = #tpu.core_type<sc_vector_subcore>, window_params = [{transform_indices = #map}, {transform_indices = #map}, {transform_indices = #map}, {transform_indices = #map1}]} {
    %mul3A = arith.constant 16 : i32
    %mul3A_0 = arith.muli %arg0, %mul3A : i32
    %add3A = arith.addi %mul3A_0, %arg1 : i32
    %broadcast_in_dim3A = arith.constant 0.000000e+00 : f32
    %broadcast_in_dim3A_1 = vector.broadcast %broadcast_in_dim3A : f32 to vector<16xf32>
    %scan3A = arith.constant 0 : i32
    %scan3A_2 = arith.constant 0 : i32
    %scan3A_3 = arith.constant 640 : i32
    %scan3A_4 = arith.addi %scan3A_2, %scan3A_3 : i32
    %scan3A_5 = arith.constant 1 : i32
    scf.for %scan3A_27 = %scan3A_2 to %scan3A_4 step %scan3A_5  : i32 {
      %mul3A_28 = arith.constant 16 : i32
      %mul3A_29 = arith.muli %scan3A_27, %mul3A_28 : i32
      %swap3A = arith.index_cast %mul3A_29 : i32 to index
      %swap3A_30 = tpu.vector_load %arg9[%swap3A] {strides = array<i32>} : memref<10240xf32, #tpu.memory_space<vmem>>, vector<16xf32>,
      tpu.vector_store %arg9[%swap3A], %broadcast_in_dim3A_1 {strides = array<i32>} : memref<10240xf32, #tpu.memory_space<vmem>>, vector<16xf32>,
    }
    %scan3A_6 = arith.constant 640 : i32
    "tpu.region"() ({
      %run_scoped3A = tpu.sem_alloc : memref<!tpu.dma_semaphore, #tpu.memory_space<semaphore_mem>>
      %dma_start3A = arith.constant 0 : i32
      %dma_start3A_27 = tpu.memref_slice %arg8[%dma_start3A] : memref<10240xf32, #tpu.memory_space<vmem>> -> memref<10000xf32, #tpu.memory_space<vmem>>
      %dma_start3A_28 = arith.constant 0 : i32
      %dma_start3A_29 = tpu.memref_slice %arg8[%dma_start3A_28] : memref<10240xf32, #tpu.memory_space<vmem>> -> memref<10000xf32, #tpu.memory_space<vmem>>
      tpu.enqueue_dma source(%arg2 : memref<10000xf32, #tpu.memory_space<hbm>>) target(%dma_start3A_29 : memref<10000xf32, #tpu.memory_space<vmem>>) target_semaphore(%run_scoped3A : memref<!tpu.dma_semaphore, #tpu.memory_space<semaphore_mem>>)
      %dma_wait3A = arith.constant 0 : i32
      %dma_wait3A_30 = tpu.memref_slice %arg8[%dma_wait3A] : memref<10240xf32, #tpu.memory_space<vmem>> -> memref<10000xf32, #tpu.memory_space<vmem>>
      %dma_wait3A_31 = arith.constant 0 : i32
      %dma_wait3A_32 = tpu.memref_slice %arg8[%dma_wait3A_31] : memref<10240xf32, #tpu.memory_space<vmem>> -> memref<10000xf32, #tpu.memory_space<vmem>>
      tpu.wait_dma2 semaphore(%run_scoped3A : memref<!tpu.dma_semaphore, #tpu.memory_space<semaphore_mem>>) src(%arg2 : memref<10000xf32, #tpu.memory_space<hbm>>) dst(%dma_wait3A_32 : memref<10000xf32, #tpu.memory_space<vmem>>)
      tpu.yield
    }) : () -> ()
    %mul3A_7 = arith.constant 10000 : i32
    %mul3A_8 = arith.muli %add3A, %mul3A_7 : i32
    "tpu.region"() ({
      %run_scoped3A = tpu.sem_alloc : memref<!tpu.dma_semaphore, #tpu.memory_space<semaphore_mem>>
      %dma_start3A = tpu.memref_slice %arg3[%mul3A_8] : memref<320000xi32, #tpu.memory_space<hbm>> -> memref<10000xi32, #tpu.memory_space<hbm>>
      %dma_start3A_27 = tpu.memref_slice %arg3[%mul3A_8] : memref<320000xi32, #tpu.memory_space<hbm>> -> memref<10000xi32, #tpu.memory_space<hbm>>
      tpu.enqueue_dma source(%dma_start3A_27 : memref<10000xi32, #tpu.memory_space<hbm>>) target(%arg6 : memref<10000xi32, #tpu.memory_space<vmem>>) target_semaphore(%run_scoped3A : memref<!tpu.dma_semaphore, #tpu.memory_space<semaphore_mem>>)
      %dma_wait3A = tpu.memref_slice %arg3[%mul3A_8] : memref<320000xi32, #tpu.memory_space<hbm>> -> memref<10000xi32, #tpu.memory_space<hbm>>
      %dma_wait3A_28 = tpu.memref_slice %arg3[%mul3A_8] : memref<320000xi32, #tpu.memory_space<hbm>> -> memref<10000xi32, #tpu.memory_space<hbm>>
      tpu.wait_dma2 semaphore(%run_scoped3A : memref<!tpu.dma_semaphore, #tpu.memory_space<semaphore_mem>>) src(%dma_wait3A_28 : memref<10000xi32, #tpu.memory_space<hbm>>) dst(%arg6 : memref<10000xi32, #tpu.memory_space<vmem>>)
      tpu.yield
    }) : () -> ()
    %mul3A_9 = arith.constant 10000 : i32
    %mul3A_10 = arith.muli %add3A, %mul3A_9 : i32
    "tpu.region"() ({
      %run_scoped3A = tpu.sem_alloc : memref<!tpu.dma_semaphore, #tpu.memory_space<semaphore_mem>>
      %dma_start3A = tpu.memref_slice %arg4[%mul3A_10] : memref<320000xi32, #tpu.memory_space<hbm>> -> memref<10000xi32, #tpu.memory_space<hbm>>
      %dma_start3A_27 = tpu.memref_slice %arg4[%mul3A_10] : memref<320000xi32, #tpu.memory_space<hbm>> -> memref<10000xi32, #tpu.memory_space<hbm>>
      tpu.enqueue_dma source(%dma_start3A_27 : memref<10000xi32, #tpu.memory_space<hbm>>) target(%arg7 : memref<10000xi32, #tpu.memory_space<vmem>>) target_semaphore(%run_scoped3A : memref<!tpu.dma_semaphore, #tpu.memory_space<semaphore_mem>>)
      %dma_wait3A = tpu.memref_slice %arg4[%mul3A_10] : memref<320000xi32, #tpu.memory_space<hbm>> -> memref<10000xi32, #tpu.memory_space<hbm>>
      %dma_wait3A_28 = tpu.memref_slice %arg4[%mul3A_10] : memref<320000xi32, #tpu.memory_space<hbm>> -> memref<10000xi32, #tpu.memory_space<hbm>>
      tpu.wait_dma2 semaphore(%run_scoped3A : memref<!tpu.dma_semaphore, #tpu.memory_space<semaphore_mem>>) src(%dma_wait3A_28 : memref<10000xi32, #tpu.memory_space<hbm>>) dst(%arg7 : memref<10000xi32, #tpu.memory_space<vmem>>)
      tpu.yield
    }) : () -> ()
    %scan3A_11 = arith.constant 0 : i32
    %scan3A_12 = arith.constant 0 : i32
    %scan3A_13 = arith.constant 625 : i32
    %scan3A_14 = arith.addi %scan3A_12, %scan3A_13 : i32
    %scan3A_15 = arith.constant 1 : i32
    scf.for %scan3A_27 = %scan3A_12 to %scan3A_14 step %scan3A_15  : i32 {
      %mul3A_28 = arith.constant 16 : i32
      %mul3A_29 = arith.muli %scan3A_27, %mul3A_28 : i32
      %get3A = arith.index_cast %mul3A_29 : i32 to index
      %get3A_30 = tpu.vector_load %arg6[%get3A] {strides = array<i32>} : memref<10000xi32, #tpu.memory_space<vmem>>, vector<16xi32>,
      %mul3A_31 = arith.constant 16 : i32
      %mul3A_32 = arith.muli %scan3A_27, %mul3A_31 : i32
      %get3A_33 = arith.index_cast %mul3A_32 : i32 to index
      %get3A_34 = tpu.vector_load %arg7[%get3A_33] {strides = array<i32>} : memref<10000xi32, #tpu.memory_space<vmem>>, vector<16xi32>,
      %gather3A = tpu.vector_load_idx %arg8[%get3A_30] : memref<10240xf32, #tpu.memory_space<vmem>>[vector<16xi32>], vector<16xf32>,
      tpu.vector_store_idx %arg9[%get3A_34], %gather3A {add = true} : memref<10240xf32, #tpu.memory_space<vmem>>[vector<16xi32>], vector<16xf32>,
    }
    %scan3A_16 = arith.constant 625 : i32
    "tpu.region"() ({
      %run_scoped3A = tpu.sem_alloc : memref<!tpu.dma_semaphore, #tpu.memory_space<semaphore_mem>>
      %dma_start3A = arith.constant 0 : i32
      %dma_start3A_27 = tpu.memref_slice %arg12[%arg1, %dma_start3A] : memref<16x10240xf32, #tpu.memory_space<vmem_shared>> -> memref<1x10240xf32, #tpu.memory_space<vmem_shared>>
      %dma_start3A_28 = tpu.memref_squeeze %dma_start3A_27 : memref<1x10240xf32, #tpu.memory_space<vmem_shared>> -> memref<10240xf32, #tpu.memory_space<vmem_shared>>
      %dma_start3A_29 = arith.constant 0 : i32
      %dma_start3A_30 = tpu.memref_slice %arg12[%arg1, %dma_start3A_29] : memref<16x10240xf32, #tpu.memory_space<vmem_shared>> -> memref<1x10240xf32, #tpu.memory_space<vmem_shared>>
      %dma_start3A_31 = tpu.memref_squeeze %dma_start3A_30 : memref<1x10240xf32, #tpu.memory_space<vmem_shared>> -> memref<10240xf32, #tpu.memory_space<vmem_shared>>
      tpu.enqueue_dma source(%arg9 : memref<10240xf32, #tpu.memory_space<vmem>>) target(%dma_start3A_31 : memref<10240xf32, #tpu.memory_space<vmem_shared>>) target_semaphore(%run_scoped3A : memref<!tpu.dma_semaphore, #tpu.memory_space<semaphore_mem>>)
      %dma_wait3A = arith.constant 0 : i32
      %dma_wait3A_32 = tpu.memref_slice %arg12[%arg1, %dma_wait3A] : memref<16x10240xf32, #tpu.memory_space<vmem_shared>> -> memref<1x10240xf32, #tpu.memory_space<vmem_shared>>
      %dma_wait3A_33 = tpu.memref_squeeze %dma_wait3A_32 : memref<1x10240xf32, #tpu.memory_space<vmem_shared>> -> memref<10240xf32, #tpu.memory_space<vmem_shared>>
      %dma_wait3A_34 = arith.constant 0 : i32
      %dma_wait3A_35 = tpu.memref_slice %arg12[%arg1, %dma_wait3A_34] : memref<16x10240xf32, #tpu.memory_space<vmem_shared>> -> memref<1x10240xf32, #tpu.memory_space<vmem_shared>>
      %dma_wait3A_36 = tpu.memref_squeeze %dma_wait3A_35 : memref<1x10240xf32, #tpu.memory_space<vmem_shared>> -> memref<10240xf32, #tpu.memory_space<vmem_shared>>
      tpu.wait_dma2 semaphore(%run_scoped3A : memref<!tpu.dma_semaphore, #tpu.memory_space<semaphore_mem>>) src(%arg9 : memref<10240xf32, #tpu.memory_space<vmem>>) dst(%dma_wait3A_36 : memref<10240xf32, #tpu.memory_space<vmem_shared>>)
      tpu.yield
    }) : () -> ()
    %barrier3A = arith.constant 0 : index
    tpu.barrier barrier_id(%barrier3A)
    %mul3A_17 = arith.constant 640 : i32
    %mul3A_18 = arith.muli %arg1, %mul3A_17 : i32
    "tpu.region"() ({
      %run_scoped3A = tpu.sem_alloc : memref<!tpu.dma_semaphore, #tpu.memory_space<semaphore_mem>>
      %dma_start3A = arith.constant 0 : i32
      %dma_start3A_27 = tpu.memref_slice %arg12[%dma_start3A, %mul3A_18] : memref<16x10240xf32, #tpu.memory_space<vmem_shared>> -> memref<16x640xf32, #tpu.memory_space<vmem_shared>>
      %dma_start3A_28 = arith.constant 0 : i32
      %dma_start3A_29 = tpu.memref_slice %arg12[%dma_start3A_28, %mul3A_18] : memref<16x10240xf32, #tpu.memory_space<vmem_shared>> -> memref<16x640xf32, #tpu.memory_space<vmem_shared>>
      tpu.enqueue_dma source(%dma_start3A_29 : memref<16x640xf32, #tpu.memory_space<vmem_shared>>) target(%arg11 : memref<16x640xf32, #tpu.memory_space<vmem>>) target_semaphore(%run_scoped3A : memref<!tpu.dma_semaphore, #tpu.memory_space<semaphore_mem>>)
      %dma_wait3A = arith.constant 0 : i32
      %dma_wait3A_30 = tpu.memref_slice %arg12[%dma_wait3A, %mul3A_18] : memref<16x10240xf32, #tpu.memory_space<vmem_shared>> -> memref<16x640xf32, #tpu.memory_space<vmem_shared>>
      %dma_wait3A_31 = arith.constant 0 : i32
      %dma_wait3A_32 = tpu.memref_slice %arg12[%dma_wait3A_31, %mul3A_18] : memref<16x10240xf32, #tpu.memory_space<vmem_shared>> -> memref<16x640xf32, #tpu.memory_space<vmem_shared>>
      tpu.wait_dma2 semaphore(%run_scoped3A : memref<!tpu.dma_semaphore, #tpu.memory_space<semaphore_mem>>) src(%dma_wait3A_32 : memref<16x640xf32, #tpu.memory_space<vmem_shared>>) dst(%arg11 : memref<16x640xf32, #tpu.memory_space<vmem>>)
      tpu.yield
    }) : () -> ()
    %scan3A_19 = arith.constant 0 : i32
    %scan3A_20 = arith.constant 0 : i32
    %scan3A_21 = arith.constant 40 : i32
    %scan3A_22 = arith.addi %scan3A_20, %scan3A_21 : i32
    %scan3A_23 = arith.constant 1 : i32
    scf.for %scan3A_27 = %scan3A_20 to %scan3A_22 step %scan3A_23  : i32 {
      %mul3A_28 = arith.constant 16 : i32
      %mul3A_29 = arith.muli %scan3A_27, %mul3A_28 : i32
      %get3A = arith.constant 0 : i32
      %get3A_30 = arith.index_cast %get3A : i32 to index
      %get3A_31 = arith.index_cast %mul3A_29 : i32 to index
      %get3A_32 = tpu.vector_load %arg11[%get3A_30, %get3A_31] {strides = array<i32>} : memref<16x640xf32, #tpu.memory_space<vmem>>, vector<16xf32>,
      %get3A_33 = arith.constant 1 : i32
      %get3A_34 = arith.index_cast %get3A_33 : i32 to index
      %get3A_35 = arith.index_cast %mul3A_29 : i32 to index
      %get3A_36 = tpu.vector_load %arg11[%get3A_34, %get3A_35] {strides = array<i32>} : memref<16x640xf32, #tpu.memory_space<vmem>>, vector<16xf32>,
      %add3A_37 = arith.addf %get3A_32, %get3A_36 : vector<16xf32>
      %get3A_38 = arith.constant 2 : i32
      %get3A_39 = arith.index_cast %get3A_38 : i32 to index
      %get3A_40 = arith.index_cast %mul3A_29 : i32 to index
      %get3A_41 = tpu.vector_load %arg11[%get3A_39, %get3A_40] {strides = array<i32>} : memref<16x640xf32, #tpu.memory_space<vmem>>, vector<16xf32>,
      %add3A_42 = arith.addf %add3A_37, %get3A_41 : vector<16xf32>
      %get3A_43 = arith.constant 3 : i32
      %get3A_44 = arith.index_cast %get3A_43 : i32 to index
      %get3A_45 = arith.index_cast %mul3A_29 : i32 to index
      %get3A_46 = tpu.vector_load %arg11[%get3A_44, %get3A_45] {strides = array<i32>} : memref<16x640xf32, #tpu.memory_space<vmem>>, vector<16xf32>,
      %add3A_47 = arith.addf %add3A_42, %get3A_46 : vector<16xf32>
      %get3A_48 = arith.constant 4 : i32
      %get3A_49 = arith.index_cast %get3A_48 : i32 to index
      %get3A_50 = arith.index_cast %mul3A_29 : i32 to index
      %get3A_51 = tpu.vector_load %arg11[%get3A_49, %get3A_50] {strides = array<i32>} : memref<16x640xf32, #tpu.memory_space<vmem>>, vector<16xf32>,
      %add3A_52 = arith.addf %add3A_47, %get3A_51 : vector<16xf32>
      %get3A_53 = arith.constant 5 : i32
      %get3A_54 = arith.index_cast %get3A_53 : i32 to index
      %get3A_55 = arith.index_cast %mul3A_29 : i32 to index
      %get3A_56 = tpu.vector_load %arg11[%get3A_54, %get3A_55] {strides = array<i32>} : memref<16x640xf32, #tpu.memory_space<vmem>>, vector<16xf32>,
      %add3A_57 = arith.addf %add3A_52, %get3A_56 : vector<16xf32>
      %get3A_58 = arith.constant 6 : i32
      %get3A_59 = arith.index_cast %get3A_58 : i32 to index
      %get3A_60 = arith.index_cast %mul3A_29 : i32 to index
      %get3A_61 = tpu.vector_load %arg11[%get3A_59, %get3A_60] {strides = array<i32>} : memref<16x640xf32, #tpu.memory_space<vmem>>, vector<16xf32>,
      %add3A_62 = arith.addf %add3A_57, %get3A_61 : vector<16xf32>
      %get3A_63 = arith.constant 7 : i32
      %get3A_64 = arith.index_cast %get3A_63 : i32 to index
      %get3A_65 = arith.index_cast %mul3A_29 : i32 to index
      %get3A_66 = tpu.vector_load %arg11[%get3A_64, %get3A_65] {strides = array<i32>} : memref<16x640xf32, #tpu.memory_space<vmem>>, vector<16xf32>,
      %add3A_67 = arith.addf %add3A_62, %get3A_66 : vector<16xf32>
      %get3A_68 = arith.constant 8 : i32
      %get3A_69 = arith.index_cast %get3A_68 : i32 to index
      %get3A_70 = arith.index_cast %mul3A_29 : i32 to index
      %get3A_71 = tpu.vector_load %arg11[%get3A_69, %get3A_70] {strides = array<i32>} : memref<16x640xf32, #tpu.memory_space<vmem>>, vector<16xf32>,
      %add3A_72 = arith.addf %add3A_67, %get3A_71 : vector<16xf32>
      %get3A_73 = arith.constant 9 : i32
      %get3A_74 = arith.index_cast %get3A_73 : i32 to index
      %get3A_75 = arith.index_cast %mul3A_29 : i32 to index
      %get3A_76 = tpu.vector_load %arg11[%get3A_74, %get3A_75] {strides = array<i32>} : memref<16x640xf32, #tpu.memory_space<vmem>>, vector<16xf32>,
      %add3A_77 = arith.addf %add3A_72, %get3A_76 : vector<16xf32>
      %get3A_78 = arith.constant 10 : i32
      %get3A_79 = arith.index_cast %get3A_78 : i32 to index
      %get3A_80 = arith.index_cast %mul3A_29 : i32 to index
      %get3A_81 = tpu.vector_load %arg11[%get3A_79, %get3A_80] {strides = array<i32>} : memref<16x640xf32, #tpu.memory_space<vmem>>, vector<16xf32>,
      %add3A_82 = arith.addf %add3A_77, %get3A_81 : vector<16xf32>
      %get3A_83 = arith.constant 11 : i32
      %get3A_84 = arith.index_cast %get3A_83 : i32 to index
      %get3A_85 = arith.index_cast %mul3A_29 : i32 to index
      %get3A_86 = tpu.vector_load %arg11[%get3A_84, %get3A_85] {strides = array<i32>} : memref<16x640xf32, #tpu.memory_space<vmem>>, vector<16xf32>,
      %add3A_87 = arith.addf %add3A_82, %get3A_86 : vector<16xf32>
      %get3A_88 = arith.constant 12 : i32
      %get3A_89 = arith.index_cast %get3A_88 : i32 to index
      %get3A_90 = arith.index_cast %mul3A_29 : i32 to index
      %get3A_91 = tpu.vector_load %arg11[%get3A_89, %get3A_90] {strides = array<i32>} : memref<16x640xf32, #tpu.memory_space<vmem>>, vector<16xf32>,
      %add3A_92 = arith.addf %add3A_87, %get3A_91 : vector<16xf32>
      %get3A_93 = arith.constant 13 : i32
      %get3A_94 = arith.index_cast %get3A_93 : i32 to index
      %get3A_95 = arith.index_cast %mul3A_29 : i32 to index
      %get3A_96 = tpu.vector_load %arg11[%get3A_94, %get3A_95] {strides = array<i32>} : memref<16x640xf32, #tpu.memory_space<vmem>>, vector<16xf32>,
      %add3A_97 = arith.addf %add3A_92, %get3A_96 : vector<16xf32>
      %get3A_98 = arith.constant 14 : i32
      %get3A_99 = arith.index_cast %get3A_98 : i32 to index
      %get3A_100 = arith.index_cast %mul3A_29 : i32 to index
      %get3A_101 = tpu.vector_load %arg11[%get3A_99, %get3A_100] {strides = array<i32>} : memref<16x640xf32, #tpu.memory_space<vmem>>, vector<16xf32>,
      %add3A_102 = arith.addf %add3A_97, %get3A_101 : vector<16xf32>
      %get3A_103 = arith.constant 15 : i32
      %get3A_104 = arith.index_cast %get3A_103 : i32 to index
      %get3A_105 = arith.index_cast %mul3A_29 : i32 to index
      %get3A_106 = tpu.vector_load %arg11[%get3A_104, %get3A_105] {strides = array<i32>} : memref<16x640xf32, #tpu.memory_space<vmem>>, vector<16xf32>,
      %add3A_107 = arith.addf %add3A_102, %get3A_106 : vector<16xf32>
      %swap3A = arith.index_cast %mul3A_29 : i32 to index
      %swap3A_108 = tpu.vector_load %arg10[%swap3A] {strides = array<i32>} : memref<640xf32, #tpu.memory_space<vmem>>, vector<16xf32>,
      tpu.vector_store %arg10[%swap3A], %add3A_107 {strides = array<i32>} : memref<640xf32, #tpu.memory_space<vmem>>, vector<16xf32>,
    }
    %scan3A_24 = arith.constant 40 : i32
    %mul3A_25 = arith.constant 640 : i32
    %mul3A_26 = arith.muli %arg1, %mul3A_25 : i32
    "tpu.region"() ({
      %run_scoped3A = tpu.sem_alloc : memref<!tpu.dma_semaphore, #tpu.memory_space<semaphore_mem>>
      %dma_start3A = tpu.memref_slice %arg5[%arg0, %mul3A_26] : memref<2x10240xf32, #tpu.memory_space<hbm>> -> memref<1x640xf32, #tpu.memory_space<hbm>>
      %dma_start3A_27 = tpu.memref_squeeze %dma_start3A : memref<1x640xf32, #tpu.memory_space<hbm>> -> memref<640xf32, #tpu.memory_space<hbm>>
      %dma_start3A_28 = tpu.memref_slice %arg5[%arg0, %mul3A_26] : memref<2x10240xf32, #tpu.memory_space<hbm>> -> memref<1x640xf32, #tpu.memory_space<hbm>>
      %dma_start3A_29 = tpu.memref_squeeze %dma_start3A_28 : memref<1x640xf32, #tpu.memory_space<hbm>> -> memref<640xf32, #tpu.memory_space<hbm>>
      tpu.enqueue_dma source(%arg10 : memref<640xf32, #tpu.memory_space<vmem>>) target(%dma_start3A_29 : memref<640xf32, #tpu.memory_space<hbm>>) target_semaphore(%run_scoped3A : memref<!tpu.dma_semaphore, #tpu.memory_space<semaphore_mem>>)
      %dma_wait3A = tpu.memref_slice %arg5[%arg0, %mul3A_26] : memref<2x10240xf32, #tpu.memory_space<hbm>> -> memref<1x640xf32, #tpu.memory_space<hbm>>
      %dma_wait3A_30 = tpu.memref_squeeze %dma_wait3A : memref<1x640xf32, #tpu.memory_space<hbm>> -> memref<640xf32, #tpu.memory_space<hbm>>
      %dma_wait3A_31 = tpu.memref_slice %arg5[%arg0, %mul3A_26] : memref<2x10240xf32, #tpu.memory_space<hbm>> -> memref<1x640xf32, #tpu.memory_space<hbm>>
      %dma_wait3A_32 = tpu.memref_squeeze %dma_wait3A_31 : memref<1x640xf32, #tpu.memory_space<hbm>> -> memref<640xf32, #tpu.memory_space<hbm>>
      tpu.wait_dma2 semaphore(%run_scoped3A : memref<!tpu.dma_semaphore, #tpu.memory_space<semaphore_mem>>) src(%arg10 : memref<640xf32, #tpu.memory_space<vmem>>) dst(%dma_wait3A_32 : memref<640xf32, #tpu.memory_space<hbm>>)
      tpu.yield
    }) : () -> ()
    return
  }
}

module attributes {stable_mosaic.version = 14 : i64} {
  func.func @_tc_hs_body(%arg0: i32, %arg1: memref<1000x128xf32, #tpu.memory_space<vmem>>, %arg2: memref<128x128xf32, #tpu.memory_space<vmem>>, %arg3: memref<2x1000x1xf32, #tpu.memory_space<vmem>>, %arg4: memref<1000x128xf32, #tpu.memory_space<vmem>>) attributes {dimension_semantics = [#tpu.dimension_semantics<arbitrary>], iteration_bounds = array<i64: 10>, scalar_prefetch = 0 : i64, scratch_operands = 0 : i64, tpu.core_type = #tpu.core_type<tc>, window_params = [{transform_indices = @transform_0, window_bounds = array<i64: 1000, 128>}, {pipeline_mode = #tpu.pipeline_mode<synchronous>, transform_indices = @transform_1, window_bounds = array<i64: 128, 128>}, {transform_indices = @transform_2, window_bounds = array<i64: 2, 1000, 1>}, {transform_indices = @transform_3, window_bounds = array<i64: 1000, 128>}]} {
    %get3A = arith.constant 0 : index
    %get3A_0 = arith.constant 0 : index
    %get3A_1 = arith.constant 0 : index
    %get3A_2 = vector.load %arg3[%get3A, %get3A_0, %get3A_1] : memref<2x1000x1xf32, #tpu.memory_space<vmem>>, vector<1x1000x1xf32>
    %get3A_3 = vector.shape_cast %get3A_2 : vector<1x1000x1xf32> to vector<1000x1xf32>
    %get3A_4 = arith.constant 1 : index
    %get3A_5 = arith.constant 0 : index
    %get3A_6 = arith.constant 0 : index
    %get3A_7 = vector.load %arg3[%get3A_4, %get3A_5, %get3A_6] : memref<2x1000x1xf32, #tpu.memory_space<vmem>>, vector<1x1000x1xf32>
    %get3A_8 = vector.shape_cast %get3A_7 : vector<1x1000x1xf32> to vector<1000x1xf32>
    %add3A = arith.addf %get3A_3, %get3A_8 : vector<1000x1xf32>
    %add3A_9 = arith.constant 1.000000e+00 : f32
    %add3A_10 = vector.broadcast %add3A_9 : f32 to vector<1000x1xf32>
    %add3A_11 = arith.addf %add3A, %add3A_10 : vector<1000x1xf32>
    %rsqrt3A = math.rsqrt %add3A_11 : vector<1000x1xf32>
    %get3A_12 = arith.constant 0 : index
    %get3A_13 = arith.constant 0 : index
    %get3A_14 = vector.load %arg1[%get3A_12, %get3A_13] : memref<1000x128xf32, #tpu.memory_space<vmem>>, vector<1000x128xf32>
    %abs3A = math.absf %get3A_14 : vector<1000x128xf32>
    %get3A_15 = arith.constant 0 : index
    %get3A_16 = arith.constant 0 : index
    %get3A_17 = vector.load %arg2[%get3A_15, %get3A_16] : memref<128x128xf32, #tpu.memory_space<vmem>>, vector<128x128xf32>
    %dot_general3A = arith.constant dense<0.000000e+00> : vector<1000x128xf32>
    %dot_general3A_18 = tpu.matmul %abs3A, %get3A_17, %dot_general3A {dimension_numbers = #tpu.dot_dimension_numbers<[1], [0], [0], [1], [0, 0, 1, 1], [], []>, transpose_lhs_hint = false} : vector<1000x128xf32>, vector<128x128xf32>, vector<1000x128xf32> -> vector<1000x128xf32>
    %mul3A = vector.broadcast %rsqrt3A : vector<1000x1xf32> to vector<1000x128xf32>
    %mul3A_19 = arith.mulf %dot_general3A_18, %mul3A : vector<1000x128xf32>
    %swap3A = arith.constant 0 : index
    %swap3A_20 = arith.constant 0 : index
    %swap3A_21 = vector.load %arg4[%swap3A, %swap3A_20] : memref<1000x128xf32, #tpu.memory_space<vmem>>, vector<1000x128xf32>
    tpu.vector_store %arg4[%swap3A, %swap3A_20], %mul3A_19 {strides = array<i32>} : memref<1000x128xf32, #tpu.memory_space<vmem>>, vector<1000x128xf32>,
    return
  }
  func.func @transform_0(%arg0: i32) -> (i32, i32) {
    %c0_i32 = arith.constant 0 : i32
    %c0_i32_0 = arith.constant 0 : i32
    return %arg0, %c0_i32 : i32, i32
  }
  func.func @transform_1(%arg0: i32) -> (i32, i32) {
    %c0_i32 = arith.constant 0 : i32
    %c0_i32_0 = arith.constant 0 : i32
    %c0_i32_1 = arith.constant 0 : i32
    return %c0_i32, %c0_i32_0 : i32, i32
  }
  func.func @transform_2(%arg0: i32) -> (i32, i32, i32) {
    %c0_i32 = arith.constant 0 : i32
    %c0_i32_0 = arith.constant 0 : i32
    %c0_i32_1 = arith.constant 0 : i32
    return %c0_i32, %arg0, %c0_i32_0 : i32, i32, i32
  }
  func.func @transform_3(%arg0: i32) -> (i32, i32) {
    %c0_i32 = arith.constant 0 : i32
    %c0_i32_0 = arith.constant 0 : i32
    return %arg0, %c0_i32 : i32, i32
  }
}

module attributes {stable_mosaic.version = 14 : i64} {
  func.func @_tc_mid_body(%arg0: i32, %arg1: memref<2x1000x128xf32, #tpu.memory_space<vmem>>, %arg2: memref<1000x128xf32, #tpu.memory_space<vmem>>, %arg3: memref<2x1000x1xf32, #tpu.memory_space<vmem>>, %arg4: memref<1x128xf32, #tpu.memory_space<vmem>>, %arg5: memref<128x1xf32, #tpu.memory_space<vmem>>, %arg6: memref<1000x1xf32, #tpu.memory_space<vmem>>) attributes {dimension_semantics = [#tpu.dimension_semantics<arbitrary>], iteration_bounds = array<i64: 10>, scalar_prefetch = 0 : i64, scratch_operands = 0 : i64, tpu.core_type = #tpu.core_type<tc>, window_params = [{transform_indices = @transform_0, window_bounds = array<i64: 2, 1000, 128>}, {transform_indices = @transform_1, window_bounds = array<i64: 1000, 128>}, {transform_indices = @transform_2, window_bounds = array<i64: 2, 1000, 1>}, {pipeline_mode = #tpu.pipeline_mode<synchronous>, transform_indices = @transform_3, window_bounds = array<i64: 1, 128>}, {pipeline_mode = #tpu.pipeline_mode<synchronous>, transform_indices = @transform_4, window_bounds = array<i64: 128, 1>}, {transform_indices = @transform_5, window_bounds = array<i64: 1000, 1>}]} {
    %get3A = arith.constant 0 : index
    %get3A_0 = arith.constant 0 : index
    %get3A_1 = arith.constant 0 : index
    %get3A_2 = vector.load %arg3[%get3A, %get3A_0, %get3A_1] : memref<2x1000x1xf32, #tpu.memory_space<vmem>>, vector<1x1000x1xf32>
    %get3A_3 = vector.shape_cast %get3A_2 : vector<1x1000x1xf32> to vector<1000x1xf32>
    %get3A_4 = arith.constant 1 : index
    %get3A_5 = arith.constant 0 : index
    %get3A_6 = arith.constant 0 : index
    %get3A_7 = vector.load %arg3[%get3A_4, %get3A_5, %get3A_6] : memref<2x1000x1xf32, #tpu.memory_space<vmem>>, vector<1x1000x1xf32>
    %get3A_8 = vector.shape_cast %get3A_7 : vector<1x1000x1xf32> to vector<1000x1xf32>
    %add3A = arith.addf %get3A_3, %get3A_8 : vector<1000x1xf32>
    %add3A_9 = arith.constant 1.000000e+00 : f32
    %add3A_10 = vector.broadcast %add3A_9 : f32 to vector<1000x1xf32>
    %add3A_11 = arith.addf %add3A, %add3A_10 : vector<1000x1xf32>
    %rsqrt3A = math.rsqrt %add3A_11 : vector<1000x1xf32>
    %get3A_12 = arith.constant 0 : index
    %get3A_13 = arith.constant 0 : index
    %get3A_14 = arith.constant 0 : index
    %get3A_15 = vector.load %arg1[%get3A_12, %get3A_13, %get3A_14] : memref<2x1000x128xf32, #tpu.memory_space<vmem>>, vector<1x1000x128xf32>
    %get3A_16 = vector.shape_cast %get3A_15 : vector<1x1000x128xf32> to vector<1000x128xf32>
    %get3A_17 = arith.constant 1 : index
    %get3A_18 = arith.constant 0 : index
    %get3A_19 = arith.constant 0 : index
    %get3A_20 = vector.load %arg1[%get3A_17, %get3A_18, %get3A_19] : memref<2x1000x128xf32, #tpu.memory_space<vmem>>, vector<1x1000x128xf32>
    %get3A_21 = vector.shape_cast %get3A_20 : vector<1x1000x128xf32> to vector<1000x128xf32>
    %add3A_22 = arith.addf %get3A_16, %get3A_21 : vector<1000x128xf32>
    %get3A_23 = arith.constant 0 : index
    %get3A_24 = arith.constant 0 : index
    %get3A_25 = vector.load %arg2[%get3A_23, %get3A_24] : memref<1000x128xf32, #tpu.memory_space<vmem>>, vector<1000x128xf32>
    %add3A_26 = arith.addf %add3A_22, %get3A_25 : vector<1000x128xf32>
    %mul3A = vector.broadcast %rsqrt3A : vector<1000x1xf32> to vector<1000x128xf32>
    %mul3A_27 = arith.mulf %add3A_26, %mul3A : vector<1000x128xf32>
    %get3A_28 = arith.constant 0 : index
    %get3A_29 = arith.constant 0 : index
    %get3A_30 = vector.load %arg4[%get3A_28, %get3A_29] : memref<1x128xf32, #tpu.memory_space<vmem>>, vector<1x128xf32>
    %add3A_31 = vector.broadcast %get3A_30 : vector<1x128xf32> to vector<1000x128xf32>
    %add3A_32 = arith.addf %mul3A_27, %add3A_31 : vector<1000x128xf32>
    %max3A = arith.constant 0.000000e+00 : f32
    %max3A_33 = vector.broadcast %max3A : f32 to vector<1000x128xf32>
    %max3A_34 = arith.maximumf %add3A_32, %max3A_33 : vector<1000x128xf32>
    %get3A_35 = arith.constant 0 : index
    %get3A_36 = arith.constant 0 : index
    %get3A_37 = vector.load %arg5[%get3A_35, %get3A_36] : memref<128x1xf32, #tpu.memory_space<vmem>>, vector<128x1xf32>
    %dot_general3A = arith.constant dense<0.000000e+00> : vector<1000x1xf32>
    %dot_general3A_38 = tpu.matmul %max3A_34, %get3A_37, %dot_general3A {dimension_numbers = #tpu.dot_dimension_numbers<[1], [0], [0], [1], [0, 0, 1, 1], [], []>, transpose_lhs_hint = false} : vector<1000x128xf32>, vector<128x1xf32>, vector<1000x1xf32> -> vector<1000x1xf32>
    %mul3A_39 = arith.mulf %dot_general3A_38, %rsqrt3A : vector<1000x1xf32>
    %swap3A = arith.constant 0 : index
    %swap3A_40 = arith.constant 0 : index
    %swap3A_41 = vector.load %arg6[%swap3A, %swap3A_40] : memref<1000x1xf32, #tpu.memory_space<vmem>>, vector<1000x1xf32>
    tpu.vector_store %arg6[%swap3A, %swap3A_40], %mul3A_39 {strides = array<i32>} : memref<1000x1xf32, #tpu.memory_space<vmem>>, vector<1000x1xf32>,
    return
  }
  func.func @transform_0(%arg0: i32) -> (i32, i32, i32) {
    %c0_i32 = arith.constant 0 : i32
    %c0_i32_0 = arith.constant 0 : i32
    %c0_i32_1 = arith.constant 0 : i32
    return %c0_i32, %arg0, %c0_i32_0 : i32, i32, i32
  }
  func.func @transform_1(%arg0: i32) -> (i32, i32) {
    %c0_i32 = arith.constant 0 : i32
    %c0_i32_0 = arith.constant 0 : i32
    return %arg0, %c0_i32 : i32, i32
  }
  func.func @transform_2(%arg0: i32) -> (i32, i32, i32) {
    %c0_i32 = arith.constant 0 : i32
    %c0_i32_0 = arith.constant 0 : i32
    %c0_i32_1 = arith.constant 0 : i32
    return %c0_i32, %arg0, %c0_i32_0 : i32, i32, i32
  }
  func.func @transform_3(%arg0: i32) -> (i32, i32) {
    %c0_i32 = arith.constant 0 : i32
    %c0_i32_0 = arith.constant 0 : i32
    %c0_i32_1 = arith.constant 0 : i32
    return %c0_i32, %c0_i32_0 : i32, i32
  }
  func.func @transform_4(%arg0: i32) -> (i32, i32) {
    %c0_i32 = arith.constant 0 : i32
    %c0_i32_0 = arith.constant 0 : i32
    %c0_i32_1 = arith.constant 0 : i32
    return %c0_i32, %c0_i32_0 : i32, i32
  }
  func.func @transform_5(%arg0: i32) -> (i32, i32) {
    %c0_i32 = arith.constant 0 : i32
    %c0_i32_0 = arith.constant 0 : i32
    return %arg0, %c0_i32 : i32, i32
  }
}

module attributes {stable_mosaic.version = 14 : i64} {
  func.func @_tc_out_body(%arg0: i32, %arg1: memref<2x10000x1xf32, #tpu.memory_space<vmem>>, %arg2: memref<10000x1xf32, #tpu.memory_space<vmem>>, %arg3: memref<2x10000x1xf32, #tpu.memory_space<vmem>>, %arg4: memref<1x1xf32, #tpu.memory_space<vmem>>, %arg5: memref<10000x1xf32, #tpu.memory_space<vmem>>) attributes {dimension_semantics = [#tpu.dimension_semantics<arbitrary>], iteration_bounds = array<i64: 1>, scalar_prefetch = 0 : i64, scratch_operands = 0 : i64, tpu.core_type = #tpu.core_type<tc>, window_params = [{transform_indices = @transform_0, window_bounds = array<i64: 2, 10000, 1>}, {pipeline_mode = #tpu.pipeline_mode<synchronous>, transform_indices = @transform_1, window_bounds = array<i64: 10000, 1>}, {transform_indices = @transform_2, window_bounds = array<i64: 2, 10000, 1>}, {pipeline_mode = #tpu.pipeline_mode<synchronous>, transform_indices = @transform_3, window_bounds = array<i64: 1, 1>}, {pipeline_mode = #tpu.pipeline_mode<synchronous>, transform_indices = @transform_4, window_bounds = array<i64: 10000, 1>}]} {
    %get3A = arith.constant 0 : index
    %get3A_0 = arith.constant 0 : index
    %get3A_1 = arith.constant 0 : index
    %get3A_2 = vector.load %arg3[%get3A, %get3A_0, %get3A_1] : memref<2x10000x1xf32, #tpu.memory_space<vmem>>, vector<1x10000x1xf32>
    %get3A_3 = vector.shape_cast %get3A_2 : vector<1x10000x1xf32> to vector<10000x1xf32>
    %get3A_4 = arith.constant 1 : index
    %get3A_5 = arith.constant 0 : index
    %get3A_6 = arith.constant 0 : index
    %get3A_7 = vector.load %arg3[%get3A_4, %get3A_5, %get3A_6] : memref<2x10000x1xf32, #tpu.memory_space<vmem>>, vector<1x10000x1xf32>
    %get3A_8 = vector.shape_cast %get3A_7 : vector<1x10000x1xf32> to vector<10000x1xf32>
    %add3A = arith.addf %get3A_3, %get3A_8 : vector<10000x1xf32>
    %add3A_9 = arith.constant 1.000000e+00 : f32
    %add3A_10 = vector.broadcast %add3A_9 : f32 to vector<10000x1xf32>
    %add3A_11 = arith.addf %add3A, %add3A_10 : vector<10000x1xf32>
    %rsqrt3A = math.rsqrt %add3A_11 : vector<10000x1xf32>
    %get3A_12 = arith.constant 0 : index
    %get3A_13 = arith.constant 0 : index
    %get3A_14 = arith.constant 0 : index
    %get3A_15 = vector.load %arg1[%get3A_12, %get3A_13, %get3A_14] : memref<2x10000x1xf32, #tpu.memory_space<vmem>>, vector<1x10000x1xf32>
    %get3A_16 = vector.shape_cast %get3A_15 : vector<1x10000x1xf32> to vector<10000x1xf32>
    %get3A_17 = arith.constant 1 : index
    %get3A_18 = arith.constant 0 : index
    %get3A_19 = arith.constant 0 : index
    %get3A_20 = vector.load %arg1[%get3A_17, %get3A_18, %get3A_19] : memref<2x10000x1xf32, #tpu.memory_space<vmem>>, vector<1x10000x1xf32>
    %get3A_21 = vector.shape_cast %get3A_20 : vector<1x10000x1xf32> to vector<10000x1xf32>
    %add3A_22 = arith.addf %get3A_16, %get3A_21 : vector<10000x1xf32>
    %get3A_23 = arith.constant 0 : index
    %get3A_24 = arith.constant 0 : index
    %get3A_25 = vector.load %arg2[%get3A_23, %get3A_24] : memref<10000x1xf32, #tpu.memory_space<vmem>>, vector<10000x1xf32>
    %add3A_26 = arith.addf %add3A_22, %get3A_25 : vector<10000x1xf32>
    %mul3A = arith.mulf %add3A_26, %rsqrt3A : vector<10000x1xf32>
    %get3A_27 = arith.constant 0 : index
    %get3A_28 = arith.constant 0 : index
    %get3A_29 = vector.load %arg4[%get3A_27, %get3A_28] : memref<1x1xf32, #tpu.memory_space<vmem>>, vector<1x1xf32>
    %add3A_30 = vector.broadcast %get3A_29 : vector<1x1xf32> to vector<10000x1xf32>
    %add3A_31 = arith.addf %mul3A, %add3A_30 : vector<10000x1xf32>
    %max3A = arith.constant 0.000000e+00 : f32
    %max3A_32 = vector.broadcast %max3A : f32 to vector<10000x1xf32>
    %max3A_33 = arith.maximumf %add3A_31, %max3A_32 : vector<10000x1xf32>
    %logistic3A = arith.negf %max3A_33 : vector<10000x1xf32>
    %logistic3A_34 = math.exp %logistic3A : vector<10000x1xf32>
    %logistic3A_35 = arith.constant 1.000000e+00 : f32
    %logistic3A_36 = vector.broadcast %logistic3A_35 : f32 to vector<10000x1xf32>
    %logistic3A_37 = arith.addf %logistic3A_36, %logistic3A_34 : vector<10000x1xf32>
    %logistic3A_38 = arith.divf %logistic3A_36, %logistic3A_37 : vector<10000x1xf32>
    %swap3A = arith.constant 0 : index
    %swap3A_39 = arith.constant 0 : index
    %swap3A_40 = vector.load %arg5[%swap3A, %swap3A_39] : memref<10000x1xf32, #tpu.memory_space<vmem>>, vector<10000x1xf32>
    tpu.vector_store %arg5[%swap3A, %swap3A_39], %logistic3A_38 {strides = array<i32>} : memref<10000x1xf32, #tpu.memory_space<vmem>>, vector<10000x1xf32>,
    return
  }
  func.func @transform_0(%arg0: i32) -> (i32, i32, i32) {
    %c0_i32 = arith.constant 0 : i32
    %c0_i32_0 = arith.constant 0 : i32
    %c0_i32_1 = arith.constant 0 : i32
    %c0_i32_2 = arith.constant 0 : i32
    return %c0_i32, %c0_i32_0, %c0_i32_1 : i32, i32, i32
  }
  func.func @transform_1(%arg0: i32) -> (i32, i32) {
    %c0_i32 = arith.constant 0 : i32
    %c0_i32_0 = arith.constant 0 : i32
    %c0_i32_1 = arith.constant 0 : i32
    return %c0_i32, %c0_i32_0 : i32, i32
  }
  func.func @transform_2(%arg0: i32) -> (i32, i32, i32) {
    %c0_i32 = arith.constant 0 : i32
    %c0_i32_0 = arith.constant 0 : i32
    %c0_i32_1 = arith.constant 0 : i32
    %c0_i32_2 = arith.constant 0 : i32
    return %c0_i32, %c0_i32_0, %c0_i32_1 : i32, i32, i32
  }
  func.func @transform_3(%arg0: i32) -> (i32, i32) {
    %c0_i32 = arith.constant 0 : i32
    %c0_i32_0 = arith.constant 0 : i32
    %c0_i32_1 = arith.constant 0 : i32
    return %c0_i32, %c0_i32_0 : i32, i32
  }
  func.func @transform_4(%arg0: i32) -> (i32, i32) {
    %c0_i32 = arith.constant 0 : i32
    %c0_i32_0 = arith.constant 0 : i32
    %c0_i32_1 = arith.constant 0 : i32
    return %c0_i32, %c0_i32_0 : i32, i32
  }
}

</mosaic_0001>

<sc_bundles>
// kernel: kernel.11.cloned.1.call-start
scs
__scs_entry_jumppad:
0x0: {  	(pc) =	sbr.rel $0x88, $3  }
0x1: {  	(tag) =	ssettag $0x0;
	lr =	simm.s32 $0x1  }
0x2: {  	[smem:$0x3F9B] =	sst lr;
	_ =	strace $0xD0000000  }
0x3: {  	_ = 	snop  }
0x4: {  	_ = 	snop  }
0x5: {  	_ = 	snop  }
0x6: {  	_ = 	snop  }
0x7: {  	_ = 	snop  }
__scs_overlays_trampoline_lowered:
0x8: {  	[smem:$0x3FAA] =	sst s0  }
0x9: {  	[smem:$0x3FAB] =	sst s1  }
0xa: {  	[smem:$0x3FAC] =	sst s2  }
0xb: {  	[smem:$0x3FAD] =	sst s3  }
0xc: {  	[smem:$0x3FAE] =	sst s4  }
0xd: {  	[smem:$0x3FAF] =	sst s5  }
0xe: {  	[smem:$0x3FB0] =	sst s6  }
0xf: {  	[smem:$0x3FB1] =	sst s7  }
0x10: {  	[smem:$0x3FB2] =	sst s8  }
0x11: {  	[smem:$0x3FB3] =	sst s9;
	s0 =	simm.s32 @!p0 $0x0  }
0x12: {  	s1 =	sld [smem:$0x3F99];
	s0 =	simm.s32 @p0 $0x1  }
0x13: {  	[smem:$0x3FB4] =	sst s0;
	s0 =	simm.s32 @!p1 $0x0  }
0x14: {  	s2 =	sld [smem:$0x3F98];
	s0 =	simm.s32 @p1 $0x1  }
0x15: {  	[smem:$0x3FB5] =	sst s0;
	s0 =	simm.s32 @!p2 $0x0  }
0x16: {  	s3 =	sld [smem:$0x3FDB];
	s0 =	simm.s32 @p2 $0x1  }
0x17: {  	s4 =	simm.s32 $0x1BF5;
	[smem:$0x3FB7] =	sst s0  }
0x18: {  	s0 =	sld [smem:$0x3F9A];
	_ =	swait.ge [sflag:s4], $0x0  }
0x19: {  	s7 =	sld [smem:$0x3F9B]  }
0x1a: {  	s8 =	sadd.s32 $0xFFFFE003, lr  }
0x1b: {  	s9 =	sadd.s32 $0xFFFFFEF7, lr;
	s5 =	simm.s32 $0xFFFFFFFF;
	p2 =	slt.u32 s8, $0xFFFFF086  }
0x1c: {  	p1 =	slt.u32 s9, $0xF7A;
	s5 =	simm.s32 @!p2 $0x0  }
0x1d: {  	s5 =	simm.s32 @p1 $0x1;
	p0 =	seq.s32 s7, s2  }
0x1e: {  	s7 =	smul.u32 @!p0 $0xF7A, s2;
	p2 =	seq.s32 @!p0 s5, $0x0  }
0x1f: {  	s9 =	smul.u32 $0xF7A, s1;
	s8 =	simm.s32 @!p0 $0x1BF5;
	p2 =	por !p2, p0  }
0x20: {  	[sflag:s8] =	ssyncset.s32 @!p0 $0xFFFFF086;
	s6 =	sadd.s32 @!p0 s3, s7;
	s7 =	simm.s32 @!p0 $0x108  }
0x21: {  	s3 =	sadd.s32 s3, s9;
	s6 =	sadd.s32 @!p0 $0x88, s6;
	s7 =	simm.s32 @p2 $0x1082  }
0x22: {  	[simem:s7], [sflag:s8] =	dma.local @!p0 [hbm:s6], $0xF7A  }
0x23: {  	s9 =	sor.u32 $0xD0000000, s2;
	s6 =	simm.s32 $0x108;
	_ =	swait.ge @!p0 [sflag:s8], $0x0  }
0x24: {  	s3 =	sadd.s32 $0x88, s3;
	s6 =	simm.s32 @!p1 $0x1082;
	[sflag:s4] =	ssyncset.s32 $0xFFFFF086  }
0x25: {  	[simem:s6], [sflag:s4] =	dma.local [hbm:s3], $0xF7A  }
0x26: {  	[smem:$0x3F9B] =	sst s1;
	(tag) =	ssettag s2;
	_ =	strace s9  }
0x27: {  	s1 =	sld [smem:$0x3FAB]  }
0x28: {  	s2 =	sld [smem:$0x3FAC]  }
0x29: {  	s4 =	sld [smem:$0x3FAE]  }
0x2a: {  	p0 =	seq.s32 s5, $0x0;
	s5 =	sld [smem:$0x3FAF]  }
0x2b: {  	s6 =	sld [smem:$0x3FB0]  }
0x2c: {  	s7 =	sld [smem:$0x3FB1]  }
0x2d: {  	s3 =	simm.s32 $0x108;
	s8 =	sld [smem:$0x3FB2]  }
0x2e: {  	s3 =	simm.s32 @!p0 $0x1082;
	s9 =	sld [smem:$0x3FB3]  }
0x2f: {  	lr =	sadd.s32 s0, s3;
	s0 =	sld [smem:$0x3FAA]  }
0x30: {  	s3 =	sld [smem:$0x3FAD]  }
0x31: {  	[smem:$0x3FB6] =	sst s10  }
0x32: {  	s10 =	sld [smem:$0x3FB4];
	_ =	sdelay $0x3  }
0x33: {  	p0 =	seq.s32 s10, $0x1;
	s10 =	sld [smem:$0x3FB6];
	_ =	sdelay $0x3  }
0x34: {  	[smem:$0x3FB6] =	sst s10  }
0x35: {  	s10 =	sld [smem:$0x3FB5];
	_ =	sdelay $0x3  }
0x36: {  	p1 =	seq.s32 s10, $0x1;
	s10 =	sld [smem:$0x3FB6];
	_ =	sdelay $0x3  }
0x37: {  	[smem:$0x3FB6] =	sst s10  }
0x38: {  	s10 =	sld [smem:$0x3FB7]  }
0x39: {  	_ = 	snop;
	(pc) =	sbr.ind lr, $3  }
0x3a: {  	_ = 	snop  }
0x3b: {  	_ = 	snop  }
0x3c: {  	p2 =	seq.s32 s10, $0x1;
	s10 =	sld [smem:$0x3FB6]  }
0x3d: {  	_ =	shalt  }
0x3e: {  	_ =	shalt  }
0x3f: {  	_ =	shalt  }
0x40: {  	_ =	shalt  }
0x41: {  	_ =	shalt  }
0x42: {  	_ =	shalt  }
0x43: {  	_ =	shalt  }
0x44: {  	_ =	shalt  }
0x45: {  	_ =	shalt  }
0x46: {  	_ =	shalt  }
0x47: {  	_ =	shalt  }
0x48: {  	_ =	shalt  }
0x49: {  	_ =	shalt  }
0x4a: {  	_ =	shalt  }
0x4b: {  	_ =	shalt  }
0x4c: {  	_ =	shalt  }
0x4d: {  	_ =	shalt  }
0x4e: {  	_ =	shalt  }
0x4f: {  	_ =	shalt  }
0x50: {  	_ =	shalt  }
0x51: {  	_ =	shalt  }
0x52: {  	_ =	shalt  }
0x53: {  	_ =	shalt  }
0x54: {  	_ =	shalt  }
0x55: {  	_ =	shalt  }
0x56: {  	_ =	shalt  }
0x57: {  	_ =	shalt  }
0x58: {  	_ =	shalt  }
0x59: {  	_ =	shalt  }
0x5a: {  	_ =	shalt  }
0x5b: {  	_ =	shalt  }
0x5c: {  	_ =	shalt  }
0x5d: {  	_ =	shalt  }
0x5e: {  	_ =	shalt  }
0x5f: {  	_ =	shalt  }
0x60: {  	_ =	shalt  }
0x61: {  	_ =	shalt  }
0x62: {  	_ =	shalt  }
0x63: {  	_ =	shalt  }
0x64: {  	_ =	shalt  }
0x65: {  	_ =	shalt  }
0x66: {  	_ =	shalt  }
0x67: {  	_ =	shalt  }
0x68: {  	_ =	shalt  }
0x69: {  	_ =	shalt  }
0x6a: {  	_ =	shalt  }
0x6b: {  	_ =	shalt  }
0x6c: {  	_ =	shalt  }
0x6d: {  	_ =	shalt  }
0x6e: {  	_ =	shalt  }
0x6f: {  	_ =	shalt  }
0x70: {  	_ =	shalt  }
0x71: {  	_ =	shalt  }
0x72: {  	_ =	shalt  }
0x73: {  	_ =	shalt  }
0x74: {  	_ =	shalt  }
0x75: {  	_ =	shalt  }
0x76: {  	_ =	shalt  }
0x77: {  	_ =	shalt  }
0x78: {  	_ =	shalt  }
0x79: {  	_ =	shalt  }
0x7a: {  	_ =	shalt  }
0x7b: {  	_ =	shalt  }
0x7c: {  	_ =	shalt  }
0x7d: {  	_ =	shalt  }
0x7e: {  	_ =	shalt  }
0x7f: {  	_ =	shalt  }
0x80: {  	_ =	shalt  }
0x81: {  	_ =	shalt  }
0x82: {  	_ =	shalt  }
0x83: {  	_ =	shalt  }
0x84: {  	_ =	shalt  }
0x85: {  	_ =	shalt  }
0x86: {  	_ =	shalt  }
0x87: {  	_ =	shalt  }
.Lfunc_end0:
.L_simem_size_0:
called_computation.1_lowered:
.L_overlay_start_0:
0x88: {  	s2 =	sld [smem:$0x3FD9]  }
0x89: {  	s3 =	sld [smem:$0x3FFE];
	_ =	sdelay $0x1  }
0x8a: {  	s1 =	srdreg.scid  }
0x8b: {  	s0 =	sand.u32 $0x1, s1  }
0x8c: {  	s16 =	sshll.u32 s0, $0xA;
	s2 =	sadd.s32 s3, s2  }
0x8d: {  	s2 =	sadd.s32 s2, s16  }
0x8e: {  	[smem:$0x3FC2] =	sst s2  }
0x8f: {  	_ = 	snop  }
0x90: {  	(tm) =	ssettm $0x1  }
0x91: {  	s17 =	sld [smem:$0x3FFB];
	_ =	sdelay $0x3  }
0x92: {  	_ =	strace s17  }
0x93: {  	s2 =	sld [smem:$0x3FFC];
	_ =	sdelay $0x3  }
0x94: {  	_ =	strace s2  }
0x95: {  	s2 =	sld [smem:$0x3FFD];
	_ =	sdelay $0x3  }
0x96: {  	_ =	strace s2  }
0x97: {  	_ =	strace $0x8FFFFFFF  }
0x98: {  	s18 =	sld [smem:$0x3FDB];
	_ =	sdelay $0x1  }
0x99: {  	s19 =	simm.s32 $_scs_section_size  }
0x9a: {  	s4 =	simm.s32 $_size__tile_overlayer_lowered;
	s5 =	simm.s32 $_tile_overlayer_lowered  }
0x9b: {  	s22 =	simm.s32 $0x1BFF;
	s21 =	sshll.u32 s5, $0x1;
	s2 =	sadd.s32 s19, s18  }
0x9c: {  	s6 =	simm.s32 $0x0;
	s20 =	sshll.u32 s4, $0x1;
	s4 =	sadd.s32 s21, s2  }
0x9d: {  	[timem:s6], [sflag:s22] =	dma.local [hbm:s4], s20  }
0x9e: {  	_ =	swait.ge [sflag:s22], s20  }
0x9f: {  	s3 =	ssub.s32 $0x0, s20;
	[sflag:s22] =	ssyncset.done $0x0  }
0xa0: {  	[sflag:s22] =	ssyncadd.s32 s3;
	_ =	sdelay $0x1  }
0xa1: {  	s23 =	simm.s32 $0x1B8B  }
0xa2: {  	_ =	swait.ge [sflag:s23], $0x1  }
0xa3: {  	[sflag:s23] =	ssyncset.done $0x0  }
0xa4: {  	s25 =	simm.s32 $0x1B8E;
	s24 =	sld [smem:$0x3FFE];
	[sflag:s23] =	ssyncadd.s32 $0xFFFFFFFF  }
0xa5: {  	s26 =	simm.s32 $execute0_lowered;
	[smem:$0x3FD2] =	sst s25  }
0xa6: {  	s4 =	sshll.u32 s26, $0x1;
	_ =	strace $0x80000049;
	[dreg:$0x1] =	wrdreg $0xFFFFFFFF  }
0xa7: {  	s28 =	simm.s32 $_size_execute0_lowered;
	s2 =	sadd.s32 s2, s4;
	[dreg:$0x0] =	wrdreg $0x0  }
0xa8: {  	s4 =	sshll.u32 s28, $0x1;
	[dreg:$0x2] =	wrdreg s2  }
0xa9: {  	[dreg:$0x3] =	wrdreg s4  }
0xaa: {  	[dreg:$0x4] =	wrdreg $0xC0  }
0xab: {  	_ =	task [dreg:s6], $0x5FFFF  }
0xac: {  	[dreg:$0x1] =	wrdreg $0xFFFFFFFF  }
0xad: {  	[dreg:$0x0] =	wrdreg $0x60  }
0xae: {  	[dreg:$0x2] =	wrdreg s24  }
0xaf: {  	[dreg:$0x3] =	wrdreg $0xA9000  }
0xb0: {  	[dreg:$0x4] =	wrdreg $0x9  }
0xb1: {  	_ =	task.clear_ibuf [dreg:s6], $0x5FFFF;
	_ =	strace $0x90000049  }
0xb2: {  	s29 =	simm.s32 $0x9;
	_ =	strace $0x8000004B  }
0xb3: {  	_ =	swait.ge [sflag:s29], $0x1  }
0xb4: {  	[sflag:s29] =	ssyncadd.s32 $0xFFFFFFFF  }
0xb5: {  	_ =	strace $0x9000004B  }
0xb6: {  	_ =	sfence  }
0xb7: {  	s30 =	sld [smem:$0x0];
	_ =	sdelay $0x2  }
0xb8: {  	s31 =	sshll.u32 s1, $0xD;
	s1 =	sshrl.u32 s1, $0x2  }
0xb9: {  	s3 =	sand.u32 $0x4000, s31;
	s1 =	sadd.s32 s1, s30  }
0xba: {  	s0 =	sor.u32 s3, s0;
	s1 =	sshll.u32 s1, $0x11  }
0xbb: {  	s0 =	sor.u32 s1, s0  }
0xbc: {  	s0 =	sadd.s32 $0x8F2B, s0  }
0xbd: {  	[sflag:s0] =	ssyncadd.remote.s32 $0x1  }
0xbe: {  	_ =	sfence.sel $0xFFFF  }
0xbf: {  	[dreg:$0x0] =	wrdreg $0xFFFFFFFF;
	(pc) =	sbr.abs _section_cstart, $3  }
0xc0: {  	[dreg:$0x1] =	wrdreg $0xFFFFFFFF  }
0xc1: {  	_ =	task.clear_ibuf [dreg:s6], $0x2FFFF;
	_ =	strace $0x9FFFFFFF  }
0xc2: {  	(tm) =	ssettm $0x7FFFFFFF  }
0xc3: {  	_ =	shalt  }
tec
execute0_lowered:
.L_overlay_start_1:
0x0: {  	(tag) =	ssettag $0x1  }
0x1: {  	s0 =	srdreg.scid  }
0x2: {  	s5 =	stileid.u32;
	s8 =	rddreg [dreg:$0x0]  }
0x3: {  	s2 =	rddreg [dreg:$0x1];
	s4 =	simm.s32 $0x0;
	s18 =	simm.s32 $0x2900  }
0x4: {  	s19 =	simm.s32 $0x5;
	s20 =	simm.s32 $0x100;
	s21 =	simm.s32 $0x80  }
0x5: {  	s22 =	simm.s32 $0x6900;
	s23 =	simm.s32 $0x1;
	s24 =	simm.s32 $0x2  }
0x6: {  	s28 =	simm.s32 $0x4;
	s29 =	simm.s32 $0x2880;
	s30 =	simm.s32 $0x0  }
0x7: {  	s0 =	sand.u32 $0x1, s0;
	[smem:$0x7FF] =	sst s4;
	s7 =	smul.u32 $0x14000, s5  }
0x8: {  	s9 =	smul.u32 $0x50000, s5;
	s6 =	sadd.s32 $0x16600, s8;
	s1 =	sshll.u32 s0, $0x4  }
0x9: {  	s25 =	smul.u32 $0x140000, s0;
	_ =	strace $0x8000004A;
	s0 =	ssub.s32 $0x2, s0  }
0xa: {  	s1 =	sor.u32 s5, s1;
	s5 =	sadd.s32 $0x7A600, s8;
	s26 =	sshrl.u32 s9, $0x2  }
0xb: {  	s31 =	sshrl.u32 s0, $0x1;
	s3 =	smul.u32 $0x2800, s1;
	s1 =	sadd.s32 s7, s25  }
0xc: {  	s7 =	sadd.s32 s26, s2;
	s0 =	ssub.s32 s0, s31;
	s26 =	simm.s32 $0x3  }
.Ltmp0:
0xd: {  	s1 =	sshrl.u32 s1, $0x3;
	s9 =	sadd.s32 $0x8000, s7;
	(pc) =	sbr.rel .LBB2_1-.Ltmp0, $4  }
0xe: {  	s10 =	sadd.s32 $0xC000, s7;
	s11 =	sadd.s32 $0x10000, s7;
	s13 =	sshrl.u32 s3, $0x3  }
0xf: {  	s15 =	smax.u32 s0, $0x1;
	s1 =	sadd.s32 s1, s8;
	s12 =	sadd.s32 s13, s8  }
0x10: {  	s8 =	sadd.s32 $0x4000, s7;
	s13 =	sadd.s32 s6, s13;
	s14 =	sadd.s32 $0xA1800, s1  }
0x11: {  	v0 =	vimm.f32 $0.0e+00;
	s12 =	sadd.s32 $0x20600, s12;
	s16 =	sadd.s32 $0x10, s13;
	s17 =	sadd.s32 $0x20, s13  }
.LBB2_6:
0x12: {  	_ =	swait.ge [sflag:s24], $0x4000  }
0x13: {  	[sflag:s24] =	ssyncset.done $0x0  }
0x14: {  	[sflag:s24] =	ssyncadd.s32 $0xFFFFC000  }
0x15: {  	[spmem:s2] =	stream.indirect.scatter.add.f32 [tilespmem:s22], [sflag:$0x4], $0x80, s29, s21, $0xb8;
	[tilespmem:$0x1E900] =	vst v63  }
0x16: {  	_ =	swait.ge [sflag:s26], $0x4000  }
0x17: {  	[sflag:s26] =	ssyncset.done $0x0  }
0x18: {  	[sflag:s26] =	ssyncadd.s32 $0xFFFFC000  }
0x19: {  	s0 =	stileid.u32;
	_ =	swait.ge [sflag:s28], $0x4000  }
0x1a: {  	s1 =	sshrl.u32 s7, $0x3;
	s30 =	sadd.s32 $0x1, s30;
	[sflag:s28] =	ssyncset.done $0x0  }
0x1b: {  	s0 =	sshll.u32 s0, $0x6;
	p0 =	sne.s32 s30, s15;
	[sflag:s28] =	ssyncadd.s32 $0xFFFFC000  }
.Ltmp1:
0x1c: {  	s0 =	sor.u32 $0x1C05, s0;
	[bflag:$0x0] =	sbarrier.arrive $0xFFFF;
	(pc) =	sbr.rel @!p0 .LBB2_7-.Ltmp1, $4  }
0x1d: {  	[hbm:s14], [sflag:s0] =	dma.local [spmem:s1], $0x2800  }
0x1e: {  	_ =	swait.ge [sflag:s19], $0x2800  }
0x1f: {  	[sflag:s19] =	ssyncset.done $0x0  }
0x20: {  	[sflag:s19] =	ssyncadd.s32 $0xFFFFD800  }
.LBB2_1:
0x21: {  	s0 =	sand.u32 $0xFE00, s4  }
0x22: {  	s31 =	sand.u32 $0x70, s4;
	s0 =	sshrl.u32 s0, $0x2  }
0x23: {  	s1 =	simm.s32 $0x40;
	s0 =	sor.u32 s31, s0;
	s31 =	simm.s32 $0x0  }
.LBB2_2:
0x24: {  	p0 =	sne.s32 s1, $0xFFC0  }
0x25: {  	[tilespmem:s0+$0x2900] =	vst v0;
	s31 =	sadd.s32 $0x10, s31;
	s0 =	smov.u32 s1;
	s1 =	sadd.s32 $0x40, s1  }
.Ltmp2:
0x26: {  	(pc) =	sbr.rel @p0 .LBB2_2-.Ltmp2, $4  }
0x27: {  	_ = 	snop  }
0x28: {  	s0 =	sand.u32 $0xFE00, s0  }
0x29: {  	s25 =	sand.u32 $0x70, s31;
	s0 =	sshrl.u32 s0, $0x2  }
0x2a: {  	s0 =	sor.u32 s25, s0  }
0x2b: {  	[tilespmem:s0+$0x2900] =	vst v0  }
0x2c: {  	[spmem:s7] =	stream.linear.scatter [tilespmem:s18], [sflag:$0x5], $0x4000, $0x38;
	[tilespmem:$0x1E900] =	vst v63  }
0x2d: {  	_ =	swait.ge [sflag:s19], $0x4000  }
0x2e: {  	[sflag:s19] =	ssyncset.done $0x0  }
0x2f: {  	[sflag:s19] =	ssyncadd.s32 $0xFFFFC000  }
0x30: {  	[spmem:s8] =	stream.linear.scatter [tilespmem:s18], [sflag:$0x5], $0x4000, $0x38;
	[tilespmem:$0x1E900] =	vst v63  }
0x31: {  	_ =	swait.ge [sflag:s19], $0x4000  }
0x32: {  	[sflag:s19] =	ssyncset.done $0x0  }
0x33: {  	[sflag:s19] =	ssyncadd.s32 $0xFFFFC000  }
0x34: {  	[spmem:s9] =	stream.linear.scatter [tilespmem:s18], [sflag:$0x5], $0x4000, $0x38;
	[tilespmem:$0x1E900] =	vst v63  }
0x35: {  	_ =	swait.ge [sflag:s19], $0x4000  }
0x36: {  	[sflag:s19] =	ssyncset.done $0x0  }
0x37: {  	[sflag:s19] =	ssyncadd.s32 $0xFFFFC000  }
0x38: {  	[spmem:s10] =	stream.linear.scatter [tilespmem:s18], [sflag:$0x5], $0x4000, $0x38;
	[tilespmem:$0x1E900] =	vst v63  }
0x39: {  	_ =	swait.ge [sflag:s19], $0x4000  }
0x3a: {  	[sflag:s19] =	ssyncset.done $0x0  }
0x3b: {  	[sflag:s19] =	ssyncadd.s32 $0xFFFFC000  }
0x3c: {  	[spmem:s11] =	stream.linear.scatter [tilespmem:s18], [sflag:$0x5], $0x4000, $0x38;
	[tilespmem:$0x1E900] =	vst v63  }
0x3d: {  	_ =	swait.ge [sflag:s19], $0x4000  }
0x3e: {  	[sflag:s19] =	ssyncset.done $0x0  }
0x3f: {  	[sflag:s19] =	ssyncadd.s32 $0xFFFFC000  }
0x40: {  	[tilespmem:s20], [sflag:$0x5] =	stream.linear.gather [hbm4b:s12+s4], $0x2800, $0x38;
	[tilespmem:$0x1E900] =	vst v63  }
0x41: {  	_ =	swait.ge [sflag:s19], $0x2800  }
0x42: {  	[sflag:s19] =	ssyncset.done $0x0  }
0x43: {  	[sflag:s19] =	ssyncadd.s32 $0xFFFFD800  }
0x44: {  	[bflag:$0x0] =	sbarrier.arrive $0xFFFF  }
0x45: {  	[tilespmem:s4], [sflag:$0x5] =	stream.linear.gather [hbm4b:s13+s4], $0x80, $0x38;
	[tilespmem:$0x1E900] =	vst v63  }
0x46: {  	_ =	swait.ge [sflag:s19], $0x80  }
0x47: {  	[sflag:s19] =	ssyncset.done $0x0  }
0x48: {  	[sflag:s19] =	ssyncadd.s32 $0xFFFFFF80  }
0x49: {  	[tilespmem:s18], [sflag:$0x1] =	stream.indirect.gather [hbm4b:s5+s21], $0x80, s4, s21, $0xb8;
	[tilespmem:$0x1E900] =	vst v63  }
0x4a: {  	_ = 	snop  }
0x4b: {  	[tilespmem:s21], [sflag:$0x5] =	stream.linear.gather [hbm4b:s16+s4], $0x80, $0x38;
	[tilespmem:$0x1E900] =	vst v63  }
0x4c: {  	_ =	swait.ge [sflag:s19], $0x80  }
0x4d: {  	[sflag:s19] =	ssyncset.done $0x0  }
0x4e: {  	[sflag:s19] =	ssyncadd.s32 $0xFFFFFF80  }
0x4f: {  	[tilespmem:s22], [sflag:$0x2] =	stream.indirect.gather [hbm4b:s5+s21], $0x80, s21, s21, $0xb8;
	[tilespmem:$0x1E900] =	vst v63  }
0x50: {  	_ =	swait.ge [sflag:s23], $0x4000  }
0x51: {  	[sflag:s23] =	ssyncset.done $0x0  }
0x52: {  	[sflag:s23] =	ssyncadd.s32 $0xFFFFC000  }
0x53: {  	[spmem:s2] =	stream.indirect.scatter.add.f32 [tilespmem:s18], [sflag:$0x3], $0x80, s20, s21, $0xb8;
	[tilespmem:$0x1E900] =	vst v63  }
0x54: {  	_ = 	snop  }
0x55: {  	[tilespmem:s4], [sflag:$0x5] =	stream.linear.gather [hbm4b:s17+s4], $0x80, $0x38;
	[tilespmem:$0x1E900] =	vst v63  }
0x56: {  	_ =	swait.ge [sflag:s19], $0x80  }
0x57: {  	[sflag:s19] =	ssyncset.done $0x0  }
0x58: {  	[sflag:s19] =	ssyncadd.s32 $0xFFFFFF80  }
0x59: {  	_ =	swait.ge [sflag:s24], $0x4000  }
0x5a: {  	[sflag:s24] =	ssyncset.done $0x0  }
0x5b: {  	s25 =	simm.s32 $0x180;
	[sflag:s24] =	ssyncadd.s32 $0xFFFFC000  }
0x5c: {  	[spmem:s2] =	stream.indirect.scatter.add.f32 [tilespmem:s22], [sflag:$0x4], $0x80, s25, s21, $0xb8;
	[tilespmem:$0x1E900] =	vst v63  }
0x5d: {  	_ =	swait.ge [sflag:s26], $0x4000  }
0x5e: {  	[sflag:s26] =	ssyncset.done $0x0  }
0x5f: {  	s31 =	simm.s32 $0x200;
	s1 =	simm.s32 $0x200;
	[sflag:s26] =	ssyncadd.s32 $0xFFFFC000  }
0x60: {  	[tilespmem:s18], [sflag:$0x1] =	stream.indirect.gather [hbm4b:s5+s21], $0x80, s4, s21, $0xb8;
	[tilespmem:$0x1E900] =	vst v63  }
.LBB2_4:
0x61: {  	s0 =	sadd.s32 $0xFFFFFF00, s1  }
0x62: {  	s25 =	sadd.s32 $0xFFFFFF80, s1;
	s0 =	sand.u32 $0x3C00, s0  }
0x63: {  	s25 =	sand.u32 $0x380, s25;
	s0 =	sadd.s32 s3, s0  }
0x64: {  	_ =	swait.ge [sflag:s28], $0x4000;
	s0 =	sor.u32 s0, s25  }
0x65: {  	[sflag:s28] =	ssyncset.done $0x0;
	s0 =	sshrl.u32 s0, $0x3  }
0x66: {  	[sflag:s28] =	ssyncadd.s32 $0xFFFFC000;
	s0 =	sadd.s32 s6, s0  }
0x67: {  	[tilespmem:s21], [sflag:$0x5] =	stream.linear.gather [hbm4b:s0+s4], $0x80, $0x38;
	[tilespmem:$0x1E900] =	vst v63  }
0x68: {  	_ =	swait.ge [sflag:s19], $0x80  }
0x69: {  	[sflag:s19] =	ssyncset.done $0x0  }
0x6a: {  	p0 =	seq.s32 s1, $0x2800;
	[sflag:s19] =	ssyncadd.s32 $0xFFFFFF80  }
0x6b: {  	[tilespmem:s22], [sflag:$0x2] =	stream.indirect.gather [hbm4b:s5+s21], $0x80, s21, s21, $0xb8;
	[tilespmem:$0x1E900] =	vst v63  }
.Ltmp3:
0x6c: {  	_ = 	snop;
	(pc) =	sbr.rel @p0 .LBB2_6-.Ltmp3, $4  }
0x6d: {  	_ =	swait.ge [sflag:s23], $0x4000  }
0x6e: {  	[sflag:s23] =	ssyncset.done $0x0  }
0x6f: {  	[sflag:s23] =	ssyncadd.s32 $0xFFFFC000  }
0x70: {  	[spmem:s2] =	stream.indirect.scatter.add.f32 [tilespmem:s18], [sflag:$0x3], $0x80, s31, s21, $0xb8;
	[tilespmem:$0x1E900] =	vst v63  }
0x71: {  	s0 =	sand.u32 $0x7C00, s1  }
0x72: {  	s25 =	sand.u32 $0x300, s1;
	s0 =	sadd.s32 s3, s0  }
0x73: {  	s0 =	sor.u32 s25, s0  }
0x74: {  	s0 =	sshrl.u32 s0, $0x3  }
0x75: {  	s0 =	sadd.s32 s6, s0  }
0x76: {  	[tilespmem:s4], [sflag:$0x5] =	stream.linear.gather [hbm4b:s0+s4], $0x80, $0x38;
	[tilespmem:$0x1E900] =	vst v63  }
0x77: {  	_ =	swait.ge [sflag:s19], $0x80  }
0x78: {  	[sflag:s19] =	ssyncset.done $0x0  }
0x79: {  	[sflag:s19] =	ssyncadd.s32 $0xFFFFFF80  }
0x7a: {  	_ =	swait.ge [sflag:s24], $0x4000  }
0x7b: {  	[sflag:s24] =	ssyncset.done $0x0  }
0x7c: {  	s25 =	sadd.s32 $0x80, s31;
	[sflag:s24] =	ssyncadd.s32 $0xFFFFC000  }
0x7d: {  	[spmem:s2] =	stream.indirect.scatter.add.f32 [tilespmem:s22], [sflag:$0x4], $0x80, s25, s21, $0xb8;
	[tilespmem:$0x1E900] =	vst v63  }
.Ltmp4:
0x7e: {  	_ = 	snop;
	(pc) =	sbr.rel .LBB2_4-.Ltmp4, $4  }
0x7f: {  	_ =	swait.ge [sflag:s26], $0x4000  }
0x80: {  	[sflag:s26] =	ssyncset.done $0x0  }
0x81: {  	s1 =	sadd.s32 $0x100, s1;
	s31 =	sadd.s32 $0x100, s31;
	[sflag:s26] =	ssyncadd.s32 $0xFFFFC000  }
0x82: {  	[tilespmem:s18], [sflag:$0x1] =	stream.indirect.gather [hbm4b:s5+s21], $0x80, s4, s21, $0xb8;
	[tilespmem:$0x1E900] =	vst v63  }
.LBB2_7:
0x83: {  	_ =	sfence.sel $0x180000  }
0x84: {  	[bflag:$0x0] =	sbarrier.arrive $0xFFFF  }
0x85: {  	_ =	strace $0x9000004A  }
0x86: {  	s0 =	stileid.u32;
	[bflag:$0x2] =	sbarrier.arrive $0xFFFF  }
0x87: {  	p0 =	sne.s32 s0, $0x0;
	s0 =	rddreg [dreg:$0x2]  }
0x88: {  	s0 =	sadd.s32 @!p0 $0x100000, s0  }
0x89: {  	[sflag:s0] =	ssyncadd.tile.s32 @!p0 $0x1;
	_ =	shalt  }
.Lfunc_end2:
_tile_overlayer_lowered:
.L_overlay_start_2:
0x8a: {  	(tag) =	ssettag $0x2  }
0x8b: {  	s0 =	rddreg [dreg:$0x0];
	s2 =	stileid.u32  }
0x8c: {  	s1 =	rddreg [dreg:$0x1];
	p0 =	sne.s32 s2, $0x0  }
0x8d: {  	s3 =	rddreg [dreg:$0x2];
	[bflag:$0x3] =	sbarrier.arrive $0xFFFF;
	s2 =	simm.s32 @!p0 $0x1C05  }
0x8e: {  	[timem:s3], [sflag:s2] =	dma.local @!p0 [hbm:s0], s1  }
0x8f: {  	s0 =	simm.s32 @!p0 $0x5  }
0x90: {  	_ =	swait.ge @!p0 [sflag:s0], s1  }
0x91: {  	s1 =	ssub.s32 @!p0 $0x0, s1;
	[sflag:s0] =	ssyncset.done @!p0 $0x0  }
0x92: {  	[sflag:s0] =	ssyncadd.s32 @!p0 s1  }
0x93: {  	[bflag:$0x3] =	sbarrier.arrive $0xFFFF  }
0x94: {  	_ =	shalt  }

// kernel: kernel.14.cloned.1.call-start
scs
__scs_entry_jumppad:
0x0: {  	(pc) =	sbr.rel $0x88, $3  }
0x1: {  	(tag) =	ssettag $0x0;
	lr =	simm.s32 $0x1  }
0x2: {  	[smem:$0x3F9B] =	sst lr;
	_ =	strace $0xD0000000  }
0x3: {  	_ = 	snop  }
0x4: {  	_ = 	snop  }
0x5: {  	_ = 	snop  }
0x6: {  	_ = 	snop  }
0x7: {  	_ = 	snop  }
__scs_overlays_trampoline_lowered:
0x8: {  	[smem:$0x3FAA] =	sst s0  }
0x9: {  	[smem:$0x3FAB] =	sst s1  }
0xa: {  	[smem:$0x3FAC] =	sst s2  }
0xb: {  	[smem:$0x3FAD] =	sst s3  }
0xc: {  	[smem:$0x3FAE] =	sst s4  }
0xd: {  	[smem:$0x3FAF] =	sst s5  }
0xe: {  	[smem:$0x3FB0] =	sst s6  }
0xf: {  	[smem:$0x3FB1] =	sst s7  }
0x10: {  	[smem:$0x3FB2] =	sst s8  }
0x11: {  	[smem:$0x3FB3] =	sst s9;
	s0 =	simm.s32 @!p0 $0x0  }
0x12: {  	s1 =	sld [smem:$0x3F99];
	s0 =	simm.s32 @p0 $0x1  }
0x13: {  	[smem:$0x3FB4] =	sst s0;
	s0 =	simm.s32 @!p1 $0x0  }
0x14: {  	s2 =	sld [smem:$0x3F98];
	s0 =	simm.s32 @p1 $0x1  }
0x15: {  	[smem:$0x3FB5] =	sst s0;
	s0 =	simm.s32 @!p2 $0x0  }
0x16: {  	s3 =	sld [smem:$0x3FDB];
	s0 =	simm.s32 @p2 $0x1  }
0x17: {  	s4 =	simm.s32 $0x1BF5;
	[smem:$0x3FB7] =	sst s0  }
0x18: {  	s0 =	sld [smem:$0x3F9A];
	_ =	swait.ge [sflag:s4], $0x0  }
0x19: {  	s7 =	sld [smem:$0x3F9B]  }
0x1a: {  	s8 =	sadd.s32 $0xFFFFE003, lr  }
0x1b: {  	s9 =	sadd.s32 $0xFFFFFEF7, lr;
	s5 =	simm.s32 $0xFFFFFFFF;
	p2 =	slt.u32 s8, $0xFFFFF086  }
0x1c: {  	p1 =	slt.u32 s9, $0xF7A;
	s5 =	simm.s32 @!p2 $0x0  }
0x1d: {  	s5 =	simm.s32 @p1 $0x1;
	p0 =	seq.s32 s7, s2  }
0x1e: {  	s7 =	smul.u32 @!p0 $0xF7A, s2;
	p2 =	seq.s32 @!p0 s5, $0x0  }
0x1f: {  	s9 =	smul.u32 $0xF7A, s1;
	s8 =	simm.s32 @!p0 $0x1BF5;
	p2 =	por !p2, p0  }
0x20: {  	[sflag:s8] =	ssyncset.s32 @!p0 $0xFFFFF086;
	s6 =	sadd.s32 @!p0 s3, s7;
	s7 =	simm.s32 @!p0 $0x108  }
0x21: {  	s3 =	sadd.s32 s3, s9;
	s6 =	sadd.s32 @!p0 $0x88, s6;
	s7 =	simm.s32 @p2 $0x1082  }
0x22: {  	[simem:s7], [sflag:s8] =	dma.local @!p0 [hbm:s6], $0xF7A  }
0x23: {  	s9 =	sor.u32 $0xD0000000, s2;
	s6 =	simm.s32 $0x108;
	_ =	swait.ge @!p0 [sflag:s8], $0x0  }
0x24: {  	s3 =	sadd.s32 $0x88, s3;
	s6 =	simm.s32 @!p1 $0x1082;
	[sflag:s4] =	ssyncset.s32 $0xFFFFF086  }
0x25: {  	[simem:s6], [sflag:s4] =	dma.local [hbm:s3], $0xF7A  }
0x26: {  	[smem:$0x3F9B] =	sst s1;
	(tag) =	ssettag s2;
	_ =	strace s9  }
0x27: {  	s1 =	sld [smem:$0x3FAB]  }
0x28: {  	s2 =	sld [smem:$0x3FAC]  }
0x29: {  	s4 =	sld [smem:$0x3FAE]  }
0x2a: {  	p0 =	seq.s32 s5, $0x0;
	s5 =	sld [smem:$0x3FAF]  }
0x2b: {  	s6 =	sld [smem:$0x3FB0]  }
0x2c: {  	s7 =	sld [smem:$0x3FB1]  }
0x2d: {  	s3 =	simm.s32 $0x108;
	s8 =	sld [smem:$0x3FB2]  }
0x2e: {  	s3 =	simm.s32 @!p0 $0x1082;
	s9 =	sld [smem:$0x3FB3]  }
0x2f: {  	lr =	sadd.s32 s0, s3;
	s0 =	sld [smem:$0x3FAA]  }
0x30: {  	s3 =	sld [smem:$0x3FAD]  }
0x31: {  	[smem:$0x3FB6] =	sst s10  }
0x32: {  	s10 =	sld [smem:$0x3FB4];
	_ =	sdelay $0x3  }
0x33: {  	p0 =	seq.s32 s10, $0x1;
	s10 =	sld [smem:$0x3FB6];
	_ =	sdelay $0x3  }
0x34: {  	[smem:$0x3FB6] =	sst s10  }
0x35: {  	s10 =	sld [smem:$0x3FB5];
	_ =	sdelay $0x3  }
0x36: {  	p1 =	seq.s32 s10, $0x1;
	s10 =	sld [smem:$0x3FB6];
	_ =	sdelay $0x3  }
0x37: {  	[smem:$0x3FB6] =	sst s10  }
0x38: {  	s10 =	sld [smem:$0x3FB7]  }
0x39: {  	_ = 	snop;
	(pc) =	sbr.ind lr, $3  }
0x3a: {  	_ = 	snop  }
0x3b: {  	_ = 	snop  }
0x3c: {  	p2 =	seq.s32 s10, $0x1;
	s10 =	sld [smem:$0x3FB6]  }
0x3d: {  	_ =	shalt  }
0x3e: {  	_ =	shalt  }
0x3f: {  	_ =	shalt  }
0x40: {  	_ =	shalt  }
0x41: {  	_ =	shalt  }
0x42: {  	_ =	shalt  }
0x43: {  	_ =	shalt  }
0x44: {  	_ =	shalt  }
0x45: {  	_ =	shalt  }
0x46: {  	_ =	shalt  }
0x47: {  	_ =	shalt  }
0x48: {  	_ =	shalt  }
0x49: {  	_ =	shalt  }
0x4a: {  	_ =	shalt  }
0x4b: {  	_ =	shalt  }
0x4c: {  	_ =	shalt  }
0x4d: {  	_ =	shalt  }
0x4e: {  	_ =	shalt  }
0x4f: {  	_ =	shalt  }
0x50: {  	_ =	shalt  }
0x51: {  	_ =	shalt  }
0x52: {  	_ =	shalt  }
0x53: {  	_ =	shalt  }
0x54: {  	_ =	shalt  }
0x55: {  	_ =	shalt  }
0x56: {  	_ =	shalt  }
0x57: {  	_ =	shalt  }
0x58: {  	_ =	shalt  }
0x59: {  	_ =	shalt  }
0x5a: {  	_ =	shalt  }
0x5b: {  	_ =	shalt  }
0x5c: {  	_ =	shalt  }
0x5d: {  	_ =	shalt  }
0x5e: {  	_ =	shalt  }
0x5f: {  	_ =	shalt  }
0x60: {  	_ =	shalt  }
0x61: {  	_ =	shalt  }
0x62: {  	_ =	shalt  }
0x63: {  	_ =	shalt  }
0x64: {  	_ =	shalt  }
0x65: {  	_ =	shalt  }
0x66: {  	_ =	shalt  }
0x67: {  	_ =	shalt  }
0x68: {  	_ =	shalt  }
0x69: {  	_ =	shalt  }
0x6a: {  	_ =	shalt  }
0x6b: {  	_ =	shalt  }
0x6c: {  	_ =	shalt  }
0x6d: {  	_ =	shalt  }
0x6e: {  	_ =	shalt  }
0x6f: {  	_ =	shalt  }
0x70: {  	_ =	shalt  }
0x71: {  	_ =	shalt  }
0x72: {  	_ =	shalt  }
0x73: {  	_ =	shalt  }
0x74: {  	_ =	shalt  }
0x75: {  	_ =	shalt  }
0x76: {  	_ =	shalt  }
0x77: {  	_ =	shalt  }
0x78: {  	_ =	shalt  }
0x79: {  	_ =	shalt  }
0x7a: {  	_ =	shalt  }
0x7b: {  	_ =	shalt  }
0x7c: {  	_ =	shalt  }
0x7d: {  	_ =	shalt  }
0x7e: {  	_ =	shalt  }
0x7f: {  	_ =	shalt  }
0x80: {  	_ =	shalt  }
0x81: {  	_ =	shalt  }
0x82: {  	_ =	shalt  }
0x83: {  	_ =	shalt  }
0x84: {  	_ =	shalt  }
0x85: {  	_ =	shalt  }
0x86: {  	_ =	shalt  }
0x87: {  	_ =	shalt  }
.Lfunc_end0:
.L_simem_size_0:
called_computation.2_lowered:
.L_overlay_start_0:
0x88: {  	s2 =	sld [smem:$0x3FD9]  }
0x89: {  	s3 =	sld [smem:$0x3FFE];
	_ =	sdelay $0x1  }
0x8a: {  	s1 =	srdreg.scid  }
0x8b: {  	s0 =	sand.u32 $0x1, s1  }
0x8c: {  	s16 =	sshll.u32 s0, $0xA;
	s2 =	sadd.s32 s3, s2  }
0x8d: {  	s2 =	sadd.s32 s2, s16  }
0x8e: {  	[smem:$0x3FC2] =	sst s2  }
0x8f: {  	_ = 	snop  }
0x90: {  	(tm) =	ssettm $0x1  }
0x91: {  	s17 =	sld [smem:$0x3FFB];
	_ =	sdelay $0x3  }
0x92: {  	_ =	strace s17  }
0x93: {  	s2 =	sld [smem:$0x3FFC];
	_ =	sdelay $0x3  }
0x94: {  	_ =	strace s2  }
0x95: {  	s2 =	sld [smem:$0x3FFD];
	_ =	sdelay $0x3  }
0x96: {  	_ =	strace s2  }
0x97: {  	_ =	strace $0x8FFFFFFF  }
0x98: {  	s18 =	sld [smem:$0x3FDB];
	_ =	sdelay $0x1  }
0x99: {  	s19 =	simm.s32 $_scs_section_size  }
0x9a: {  	s4 =	simm.s32 $_size__tile_overlayer_lowered;
	s5 =	simm.s32 $_tile_overlayer_lowered  }
0x9b: {  	s22 =	simm.s32 $0x1BFF;
	s21 =	sshll.u32 s5, $0x1;
	s2 =	sadd.s32 s19, s18  }
0x9c: {  	s6 =	simm.s32 $0x0;
	s20 =	sshll.u32 s4, $0x1;
	s4 =	sadd.s32 s21, s2  }
0x9d: {  	[timem:s6], [sflag:s22] =	dma.local [hbm:s4], s20  }
0x9e: {  	_ =	swait.ge [sflag:s22], s20  }
0x9f: {  	s3 =	ssub.s32 $0x0, s20;
	[sflag:s22] =	ssyncset.done $0x0  }
0xa0: {  	[sflag:s22] =	ssyncadd.s32 s3;
	_ =	sdelay $0x1  }
0xa1: {  	s23 =	simm.s32 $0x1B8B  }
0xa2: {  	_ =	swait.ge [sflag:s23], $0x1  }
0xa3: {  	[sflag:s23] =	ssyncset.done $0x0  }
0xa4: {  	s25 =	simm.s32 $0x1B8E;
	s24 =	sld [smem:$0x3FFE];
	[sflag:s23] =	ssyncadd.s32 $0xFFFFFFFF  }
0xa5: {  	s26 =	simm.s32 $execute0_lowered;
	[smem:$0x3FD2] =	sst s25  }
0xa6: {  	s4 =	sshll.u32 s26, $0x1;
	_ =	strace $0x8000004C;
	[dreg:$0x1] =	wrdreg $0xFFFFFFFF  }
0xa7: {  	s28 =	simm.s32 $_size_execute0_lowered;
	s2 =	sadd.s32 s2, s4;
	[dreg:$0x0] =	wrdreg $0x0  }
0xa8: {  	s4 =	sshll.u32 s28, $0x1;
	[dreg:$0x2] =	wrdreg s2  }
0xa9: {  	[dreg:$0x3] =	wrdreg s4  }
0xaa: {  	[dreg:$0x4] =	wrdreg $0xC0  }
0xab: {  	_ =	task [dreg:s6], $0x5FFFF  }
0xac: {  	[dreg:$0x1] =	wrdreg $0xFFFFFFFF  }
0xad: {  	[dreg:$0x0] =	wrdreg $0x60  }
0xae: {  	[dreg:$0x2] =	wrdreg s24  }
0xaf: {  	[dreg:$0x3] =	wrdreg $0xC9800  }
0xb0: {  	[dreg:$0x4] =	wrdreg $0x9  }
0xb1: {  	_ =	task.clear_ibuf [dreg:s6], $0x5FFFF;
	_ =	strace $0x9000004C  }
0xb2: {  	s29 =	simm.s32 $0x9;
	_ =	strace $0x8000004E  }
0xb3: {  	_ =	swait.ge [sflag:s29], $0x1  }
0xb4: {  	[sflag:s29] =	ssyncadd.s32 $0xFFFFFFFF  }
0xb5: {  	_ =	strace $0x9000004E  }
0xb6: {  	_ =	sfence  }
0xb7: {  	s30 =	sld [smem:$0x0];
	_ =	sdelay $0x2  }
0xb8: {  	s31 =	sshll.u32 s1, $0xD;
	s1 =	sshrl.u32 s1, $0x2  }
0xb9: {  	s3 =	sand.u32 $0x4000, s31;
	s1 =	sadd.s32 s1, s30  }
0xba: {  	s0 =	sor.u32 s3, s0;
	s1 =	sshll.u32 s1, $0x11  }
0xbb: {  	s0 =	sor.u32 s1, s0  }
0xbc: {  	s0 =	sadd.s32 $0x8F2B, s0  }
0xbd: {  	[sflag:s0] =	ssyncadd.remote.s32 $0x1  }
0xbe: {  	_ =	sfence.sel $0xFFFF  }
0xbf: {  	[dreg:$0x0] =	wrdreg $0xFFFFFFFF;
	(pc) =	sbr.abs _section_cstart, $3  }
0xc0: {  	[dreg:$0x1] =	wrdreg $0xFFFFFFFF  }
0xc1: {  	_ =	task.clear_ibuf [dreg:s6], $0x2FFFF;
	_ =	strace $0x9FFFFFFF  }
0xc2: {  	(tm) =	ssettm $0x7FFFFFFF  }
0xc3: {  	_ =	shalt  }
tec
execute0_lowered:
.L_overlay_start_1:
0x0: {  	(tag) =	ssettag $0x1  }
0x1: {  	s0 =	srdreg.scid;
	s5 =	rddreg [dreg:$0x0]  }
0x2: {  	s7 =	rddreg [dreg:$0x1];
	s2 =	simm.s32 $0x0;
	s12 =	simm.s32 $0x2780  }
0x3: {  	s13 =	simm.s32 $0x7700;
	s14 =	simm.s32 $0x80;
	s15 =	simm.s32 $0x400  }
0x4: {  	s16 =	simm.s32 $0x1400;
	s17 =	simm.s32 $0x14000;
	s18 =	simm.s32 $0xA180  }
0x5: {  	s19 =	simm.s32 $0x100;
	s20 =	simm.s32 $0x9F00;
	s4 =	sand.u32 $0x1, s0  }
0x6: {  	s0 =	stileid.u32;
	[smem:$0x7FF] =	sst s2;
	s1 =	sshll.u32 s4, $0x4  }
0x7: {  	s8 =	smul.u32 $0x500, s0;
	s9 =	sshll.u32 s4, $0x7;
	s4 =	ssub.s32 $0x2, s4  }
0x8: {  	s29 =	sshrl.u32 s0, $0x3;
	s11 =	smul.u32 $0x5000, s0;
	s31 =	sshll.u32 s0, $0x7  }
0x9: {  	s3 =	sor.u32 s0, s1;
	s1 =	rddreg [dreg:$0x2];
	_ =	strace $0x8000004D  }
0xa: {  	s30 =	sshrl.u32 s4, $0x1;
	s6 =	smul.u32 $0x4E2, s3;
	s3 =	sadd.s32 $0x15C00, s5  }
0xb: {  	s8 =	sor.u32 s9, s8;
	s9 =	smul.u32 $0x50000, s29;
	s10 =	ssub.s32 s4, s30  }
0xc: {  	s11 =	sshrl.u32 s11, $0x2;
	s8 =	sshrl.u32 s8, $0x3;
	s6 =	sadd.s32 s6, s5  }
0xd: {  	s8 =	sadd.s32 s8, s5;
	s9 =	sshrl.u32 s9, $0x2;
	s4 =	sadd.s32 $0xBE00, s6  }
0xe: {  	s5 =	sadd.s32 $0x2000, s6;
	s6 =	sand.u32 $0x380, s31;
	s9 =	sadd.s32 s9, s7  }
0xf: {  	s7 =	sadd.s32 s11, s7;
	s8 =	sadd.s32 $0x16200, s8;
	s11 =	simm.s32 $0x1  }
0x10: {  	v0 =	vimm.f32 $0.0e+00;
	s6 =	sadd.s32 s6, s9;
	s9 =	smax.u32 s10, $0x1;
	s10 =	simm.s32 $0x4F00  }
.LBB2_1:
0x11: {  	s21 =	simm.s32 $0x40;
	s22 =	simm.s32 $0x0  }
.LBB2_2:
0x12: {  	p0 =	sne.s32 s21, $0x9FC0;
	[tilespmem:s22+$0x7700] =	vst v0;
	s22 =	smov.u32 s21;
	s21 =	sadd.s32 $0x40, s21  }
.Ltmp0:
0x13: {  	(pc) =	sbr.rel @p0 .LBB2_2-.Ltmp0, $2  }
0x14: {  	_ =	sdelay $0x2  }
0x15: {  	s22 =	sshra.s32 s22, $0x2  }
0x16: {  	[tilespmem:s22+$0x7700] =	vst v0;
	s21 =	simm.s32 $0x0  }
0x17: {  	[tilespmem:s10], [sflag:$0x1] =	stream.linear.gather [hbm4b:s3+s21], $0x2710, $0x38;
	[tilespmem:$0xF180] =	vst v63  }
0x18: {  	_ =	swait.ge [sflag:s11], $0x2710  }
0x19: {  	[sflag:s11] =	ssyncset.done $0x0  }
0x1a: {  	[sflag:s11] =	ssyncadd.s32 $0xFFFFD8F0  }
0x1b: {  	[tilespmem:s21], [sflag:$0x1] =	stream.linear.gather [hbm4b:s4+s21], $0x2710, $0x38;
	[tilespmem:$0xF180] =	vst v63  }
0x1c: {  	_ =	swait.ge [sflag:s11], $0x2710  }
0x1d: {  	[sflag:s11] =	ssyncset.done $0x0  }
0x1e: {  	[sflag:s11] =	ssyncadd.s32 $0xFFFFD8F0  }
0x1f: {  	[tilespmem:s12], [sflag:$0x1] =	stream.linear.gather [hbm4b:s5+s21], $0x2710, $0x38;
	[tilespmem:$0xF180] =	vst v63  }
0x20: {  	_ =	swait.ge [sflag:s11], $0x2710  }
0x21: {  	[sflag:s11] =	ssyncset.done $0x0  }
0x22: {  	s22 =	simm.s32 $0x0;
	s21 =	simm.s32 $0x40;
	[sflag:s11] =	ssyncadd.s32 $0xFFFFD8F0  }
.LBB2_4:
0x23: {  	p0 =	sne.s32 s21, $0x9C00;
	v1 =	vld [tilespmem:s22+$0x0];
	_ =	sdelay $0x5  }
0x24: {  	v2 =	vld [tilespmem:s22+$0x2780];
	_ =	sdelay $0x1  }
0x25: {  	v1 =	vld.idx.msk [tilespmem:v1+s10+$0x0], $0xffff;
	_ =	sdelay $0x1  }
.Ltmp1:
0x26: {  	(pc) =	sbr.rel @p0 .LBB2_4-.Ltmp1, $2  }
0x27: {  	_ =	sdelay $0x2  }
0x28: {  	s22 =	sshra.s32 s21, $0x2;
	s21 =	sadd.s32 $0x40, s21;
	[tilespmem:v2+s13+$0x0] =	vst.idx.add.f32.msk $0xffff, v1  }
0x29: {  	v1 =	vld [tilespmem:s22+$0x0];
	_ =	sdelay $0x4  }
0x2a: {  	v2 =	vld [tilespmem:s22+$0x2780];
	_ =	sdelay $0x2  }
0x2b: {  	v1 =	vld.idx.msk [tilespmem:v1+s10+$0x0], $0xffff;
	_ =	sdelay $0x4  }
0x2c: {  	[tilespmem:v2+s13+$0x0] =	vst.idx.add.f32.msk $0xffff, v1  }
0x2d: {  	[spmem:s6] =	stream.strided.scatter [tilespmem:s13], [sflag:$0x1], $0x2800, s15, s14, $0x38;
	[tilespmem:$0xF180] =	vst v63  }
0x2e: {  	_ =	swait.ge [sflag:s11], $0x2800  }
0x2f: {  	[sflag:s11] =	ssyncset.done $0x0  }
0x30: {  	[sflag:s11] =	ssyncadd.s32 $0xFFFFD800  }
0x31: {  	[bflag:$0x0] =	sbarrier.arrive $0xFFFF  }
0x32: {  	[tilespmem:s18], [sflag:$0x1] =	stream.strided.gather [spmem:s7], $0x2800, s17, s16, $0x38;
	[tilespmem:$0xF180] =	vst v63  }
0x33: {  	s21 =	simm.s32 $0x0;
	_ =	swait.ge [sflag:s11], $0x2800  }
0x34: {  	s30 =	sand.u32 $0x70, s21;
	s21 =	sand.u32 $0x1C00, s21;
	[sflag:s11] =	ssyncset.done $0x0  }
0x35: {  	s21 =	sor.u32 s30, s21;
	[sflag:s11] =	ssyncadd.s32 $0xFFFFD800  }
0x36: {  	v1 =	vld [tilespmem:s21+$0xA200]  }
0x37: {  	v2 =	vld [tilespmem:s21+$0xA180];
	_ =	sdelay $0x1  }
0x38: {  	v3 =	vld [tilespmem:s21+$0xA280];
	_ =	sdelay $0x1  }
0x39: {  	v4 =	vld [tilespmem:s21+$0xA300]  }
0x3a: {  	v1 =	vadd.f32 v1, v2  }
0x3b: {  	v2 =	vld [tilespmem:s21+$0xA380]  }
0x3c: {  	v1 =	vadd.f32 v3, v1  }
0x3d: {  	v3 =	vld [tilespmem:s21+$0xA400]  }
0x3e: {  	v1 =	vadd.f32 v4, v1  }
0x3f: {  	v60 =	vld [tilespmem:s21+$0xA480]  }
0x40: {  	v1 =	vadd.f32 v2, v1  }
0x41: {  	v2 =	vld [tilespmem:s21+$0xA500]  }
0x42: {  	v1 =	vadd.f32 v3, v1  }
0x43: {  	v3 =	vld [tilespmem:s21+$0xB580]  }
0x44: {  	v1 =	vadd.f32 v60, v1  }
0x45: {  	v61 =	vld [tilespmem:s21+$0xB600]  }
0x46: {  	v1 =	vadd.f32 v2, v1  }
0x47: {  	v2 =	vld [tilespmem:s21+$0xB680]  }
0x48: {  	v1 =	vadd.f32 v3, v1  }
0x49: {  	v3 =	vld [tilespmem:s21+$0xB700]  }
0x4a: {  	v1 =	vadd.f32 v61, v1  }
0x4b: {  	v62 =	vld [tilespmem:s21+$0xB780]  }
0x4c: {  	v1 =	vadd.f32 v2, v1  }
0x4d: {  	v2 =	vld [tilespmem:s21+$0xB800]  }
0x4e: {  	v1 =	vadd.f32 v3, v1  }
0x4f: {  	v3 =	vld [tilespmem:s21+$0xB880]  }
0x50: {  	v1 =	vadd.f32 v62, v1  }
0x51: {  	v63 =	vld [tilespmem:s21+$0xB900]  }
0x52: {  	v1 =	vadd.f32 v2, v1;
	_ =	sdelay $0x1  }
0x53: {  	v1 =	vadd.f32 v3, v1;
	_ =	sdelay $0x1  }
0x54: {  	s31 =	simm.s32 $0x10;
	s23 =	simm.s32 $0x80;
	v1 =	vadd.f32 v63, v1  }
0x55: {  	s22 =	sand.u32 $0x70, s31;
	s24 =	sand.u32 $0x1C00, s23;
	s21 =	simm.s32 $0x9F00  }
0x56: {  	s22 =	sor.u32 s22, s24;
	s24 =	simm.s32 $0x20;
	[tilespmem:s21+$0x0] =	vst v1  }
.LBB2_6:
0x57: {  	p0 =	sne.s32 s24, $0x270;
	v1 =	vld [tilespmem:s22+$0xA200]  }
0x58: {  	v2 =	vld [tilespmem:s22+$0xA180];
	_ =	sdelay $0x1  }
0x59: {  	v3 =	vld [tilespmem:s22+$0xA280];
	_ =	sdelay $0x1  }
0x5a: {  	v4 =	vld [tilespmem:s22+$0xA300]  }
0x5b: {  	v1 =	vadd.f32 v1, v2  }
0x5c: {  	v2 =	vld [tilespmem:s22+$0xA380]  }
0x5d: {  	v1 =	vadd.f32 v3, v1  }
0x5e: {  	v3 =	vld [tilespmem:s22+$0xA400]  }
0x5f: {  	v1 =	vadd.f32 v4, v1  }
0x60: {  	v4 =	vld [tilespmem:s22+$0xA480]  }
0x61: {  	v1 =	vadd.f32 v2, v1  }
0x62: {  	v2 =	vld [tilespmem:s22+$0xA500]  }
0x63: {  	v1 =	vadd.f32 v3, v1  }
0x64: {  	v3 =	vld [tilespmem:s22+$0xB580]  }
0x65: {  	v1 =	vadd.f32 v4, v1  }
0x66: {  	v4 =	vld [tilespmem:s22+$0xB600]  }
0x67: {  	v1 =	vadd.f32 v2, v1  }
0x68: {  	v2 =	vld [tilespmem:s22+$0xB680]  }
0x69: {  	v1 =	vadd.f32 v3, v1  }
0x6a: {  	v3 =	vld [tilespmem:s22+$0xB700]  }
0x6b: {  	v1 =	vadd.f32 v4, v1  }
0x6c: {  	v4 =	vld [tilespmem:s22+$0xB780]  }
0x6d: {  	v1 =	vadd.f32 v2, v1  }
0x6e: {  	v2 =	vld [tilespmem:s22+$0xB800]  }
0x6f: {  	v1 =	vadd.f32 v3, v1  }
0x70: {  	v3 =	vld [tilespmem:s22+$0xB880]  }
0x71: {  	v1 =	vadd.f32 v4, v1  }
0x72: {  	v4 =	vld [tilespmem:s22+$0xB900]  }
0x73: {  	v1 =	vadd.f32 v2, v1;
	_ =	sdelay $0x1  }
.Ltmp2:
0x74: {  	v1 =	vadd.f32 v3, v1;
	(pc) =	sbr.rel @p0 .LBB2_6-.Ltmp2, $4  }
0x75: {  	_ = 	snop  }
0x76: {  	s23 =	sadd.s32 $0x80, s23;
	v1 =	vadd.f32 v4, v1  }
0x77: {  	s21 =	sadd.s32 $0x10, s21;
	s25 =	sand.u32 $0x1C00, s23;
	s22 =	sand.u32 $0x70, s24  }
0x78: {  	s24 =	sadd.s32 $0x10, s24;
	s22 =	sor.u32 s22, s25;
	[tilespmem:s21+$0x0] =	vst v1  }
0x79: {  	v1 =	vld [tilespmem:s22+$0xA200]  }
0x7a: {  	v2 =	vld [tilespmem:s22+$0xA180];
	_ =	sdelay $0x1  }
0x7b: {  	v3 =	vld [tilespmem:s22+$0xA280];
	_ =	sdelay $0x1  }
0x7c: {  	v4 =	vld [tilespmem:s22+$0xA300]  }
0x7d: {  	v1 =	vadd.f32 v1, v2  }
0x7e: {  	v2 =	vld [tilespmem:s22+$0xA380]  }
0x7f: {  	v1 =	vadd.f32 v3, v1  }
0x80: {  	v3 =	vld [tilespmem:s22+$0xA400]  }
0x81: {  	v1 =	vadd.f32 v4, v1  }
0x82: {  	v60 =	vld [tilespmem:s22+$0xA480]  }
0x83: {  	v1 =	vadd.f32 v2, v1  }
0x84: {  	v2 =	vld [tilespmem:s22+$0xA500]  }
0x85: {  	v1 =	vadd.f32 v3, v1  }
0x86: {  	v3 =	vld [tilespmem:s22+$0xB580]  }
0x87: {  	v1 =	vadd.f32 v60, v1  }
0x88: {  	v61 =	vld [tilespmem:s22+$0xB600]  }
0x89: {  	v1 =	vadd.f32 v2, v1  }
0x8a: {  	v2 =	vld [tilespmem:s22+$0xB680]  }
0x8b: {  	v1 =	vadd.f32 v3, v1  }
0x8c: {  	v3 =	vld [tilespmem:s22+$0xB700]  }
0x8d: {  	v1 =	vadd.f32 v61, v1  }
0x8e: {  	v62 =	vld [tilespmem:s22+$0xB780]  }
0x8f: {  	v1 =	vadd.f32 v2, v1  }
0x90: {  	v2 =	vld [tilespmem:s22+$0xB800]  }
0x91: {  	v1 =	vadd.f32 v3, v1  }
0x92: {  	v3 =	vld [tilespmem:s22+$0xB880]  }
0x93: {  	v1 =	vadd.f32 v62, v1  }
0x94: {  	v63 =	vld [tilespmem:s22+$0xB900]  }
0x95: {  	v1 =	vadd.f32 v2, v1;
	_ =	sdelay $0x1  }
0x96: {  	v1 =	vadd.f32 v3, v1;
	_ =	sdelay $0x1  }
0x97: {  	s2 =	sadd.s32 $0x1, s2;
	v1 =	vadd.f32 v63, v1  }
0x98: {  	s21 =	sadd.s32 $0x10, s21;
	p0 =	sne.s32 s2, s9  }
.Ltmp3:
0x99: {  	[tilespmem:s21+$0x0] =	vst v1;
	(pc) =	sbr.rel @p0 .LBB2_1-.Ltmp3, $4  }
0x9a: {  	[hbm4b:s8+s14] =	stream.strided.scatter [tilespmem:s20], [sflag:$0x1], $0x280, s19, s14, $0x38;
	[tilespmem:$0xF180] =	vst v63  }
0x9b: {  	_ =	swait.ge [sflag:s11], $0x280  }
0x9c: {  	[sflag:s11] =	ssyncset.done $0x0  }
0x9d: {  	[sflag:s11] =	ssyncadd.s32 $0xFFFFFD80  }
0x9e: {  	_ =	sfence.sel $0x180000  }
0x9f: {  	[bflag:$0x0] =	sbarrier.arrive $0xFFFF  }
0xa0: {  	p0 =	sne.s32 s0, $0x0;
	_ =	strace $0x9000004D  }
0xa1: {  	s0 =	sadd.s32 @!p0 $0x100000, s1;
	[bflag:$0x2] =	sbarrier.arrive $0xFFFF  }
0xa2: {  	[sflag:s0] =	ssyncadd.tile.s32 @!p0 $0x1;
	_ =	shalt  }
.Lfunc_end2:
_tile_overlayer_lowered:
.L_overlay_start_2:
0xa3: {  	(tag) =	ssettag $0x2  }
0xa4: {  	s0 =	rddreg [dreg:$0x0];
	s2 =	stileid.u32  }
0xa5: {  	s1 =	rddreg [dreg:$0x1];
	p0 =	sne.s32 s2, $0x0  }
0xa6: {  	s3 =	rddreg [dreg:$0x2];
	[bflag:$0x3] =	sbarrier.arrive $0xFFFF;
	s2 =	simm.s32 @!p0 $0x1C01  }
0xa7: {  	[timem:s3], [sflag:s2] =	dma.local @!p0 [hbm:s0], s1  }
0xa8: {  	s0 =	simm.s32 @!p0 $0x1  }
0xa9: {  	_ =	swait.ge @!p0 [sflag:s0], s1  }
0xaa: {  	s1 =	ssub.s32 @!p0 $0x0, s1;
	[sflag:s0] =	ssyncset.done @!p0 $0x0  }
0xab: {  	[sflag:s0] =	ssyncadd.s32 @!p0 s1  }
0xac: {  	[bflag:$0x3] =	sbarrier.arrive $0xFFFF  }
0xad: {  	_ =	shalt  }

// kernel: kernel.8.cloned.1.call-start
scs
__scs_entry_jumppad:
0x0: {  	(pc) =	sbr.rel $0x88, $3  }
0x1: {  	(tag) =	ssettag $0x0;
	lr =	simm.s32 $0x1  }
0x2: {  	[smem:$0x3F9B] =	sst lr;
	_ =	strace $0xD0000000  }
0x3: {  	_ = 	snop  }
0x4: {  	_ = 	snop  }
0x5: {  	_ = 	snop  }
0x6: {  	_ = 	snop  }
0x7: {  	_ = 	snop  }
__scs_overlays_trampoline_lowered:
0x8: {  	[smem:$0x3FAA] =	sst s0  }
0x9: {  	[smem:$0x3FAB] =	sst s1  }
0xa: {  	[smem:$0x3FAC] =	sst s2  }
0xb: {  	[smem:$0x3FAD] =	sst s3  }
0xc: {  	[smem:$0x3FAE] =	sst s4  }
0xd: {  	[smem:$0x3FAF] =	sst s5  }
0xe: {  	[smem:$0x3FB0] =	sst s6  }
0xf: {  	[smem:$0x3FB1] =	sst s7  }
0x10: {  	[smem:$0x3FB2] =	sst s8  }
0x11: {  	[smem:$0x3FB3] =	sst s9;
	s0 =	simm.s32 @!p0 $0x0  }
0x12: {  	s1 =	sld [smem:$0x3F99];
	s0 =	simm.s32 @p0 $0x1  }
0x13: {  	[smem:$0x3FB4] =	sst s0;
	s0 =	simm.s32 @!p1 $0x0  }
0x14: {  	s2 =	sld [smem:$0x3F98];
	s0 =	simm.s32 @p1 $0x1  }
0x15: {  	[smem:$0x3FB5] =	sst s0;
	s0 =	simm.s32 @!p2 $0x0  }
0x16: {  	s3 =	sld [smem:$0x3FDB];
	s0 =	simm.s32 @p2 $0x1  }
0x17: {  	s4 =	simm.s32 $0x1BF5;
	[smem:$0x3FB7] =	sst s0  }
0x18: {  	s0 =	sld [smem:$0x3F9A];
	_ =	swait.ge [sflag:s4], $0x0  }
0x19: {  	s7 =	sld [smem:$0x3F9B]  }
0x1a: {  	s8 =	sadd.s32 $0xFFFFE003, lr  }
0x1b: {  	s9 =	sadd.s32 $0xFFFFFEF7, lr;
	s5 =	simm.s32 $0xFFFFFFFF;
	p2 =	slt.u32 s8, $0xFFFFF086  }
0x1c: {  	p1 =	slt.u32 s9, $0xF7A;
	s5 =	simm.s32 @!p2 $0x0  }
0x1d: {  	s5 =	simm.s32 @p1 $0x1;
	p0 =	seq.s32 s7, s2  }
0x1e: {  	s7 =	smul.u32 @!p0 $0xF7A, s2;
	p2 =	seq.s32 @!p0 s5, $0x0  }
0x1f: {  	s9 =	smul.u32 $0xF7A, s1;
	s8 =	simm.s32 @!p0 $0x1BF5;
	p2 =	por !p2, p0  }
0x20: {  	[sflag:s8] =	ssyncset.s32 @!p0 $0xFFFFF086;
	s6 =	sadd.s32 @!p0 s3, s7;
	s7 =	simm.s32 @!p0 $0x108  }
0x21: {  	s3 =	sadd.s32 s3, s9;
	s6 =	sadd.s32 @!p0 $0x88, s6;
	s7 =	simm.s32 @p2 $0x1082  }
0x22: {  	[simem:s7], [sflag:s8] =	dma.local @!p0 [hbm:s6], $0xF7A  }
0x23: {  	s9 =	sor.u32 $0xD0000000, s2;
	s6 =	simm.s32 $0x108;
	_ =	swait.ge @!p0 [sflag:s8], $0x0  }
0x24: {  	s3 =	sadd.s32 $0x88, s3;
	s6 =	simm.s32 @!p1 $0x1082;
	[sflag:s4] =	ssyncset.s32 $0xFFFFF086  }
0x25: {  	[simem:s6], [sflag:s4] =	dma.local [hbm:s3], $0xF7A  }
0x26: {  	[smem:$0x3F9B] =	sst s1;
	(tag) =	ssettag s2;
	_ =	strace s9  }
0x27: {  	s1 =	sld [smem:$0x3FAB]  }
0x28: {  	s2 =	sld [smem:$0x3FAC]  }
0x29: {  	s4 =	sld [smem:$0x3FAE]  }
0x2a: {  	p0 =	seq.s32 s5, $0x0;
	s5 =	sld [smem:$0x3FAF]  }
0x2b: {  	s6 =	sld [smem:$0x3FB0]  }
0x2c: {  	s7 =	sld [smem:$0x3FB1]  }
0x2d: {  	s3 =	simm.s32 $0x108;
	s8 =	sld [smem:$0x3FB2]  }
0x2e: {  	s3 =	simm.s32 @!p0 $0x1082;
	s9 =	sld [smem:$0x3FB3]  }
0x2f: {  	lr =	sadd.s32 s0, s3;
	s0 =	sld [smem:$0x3FAA]  }
0x30: {  	s3 =	sld [smem:$0x3FAD]  }
0x31: {  	[smem:$0x3FB6] =	sst s10  }
0x32: {  	s10 =	sld [smem:$0x3FB4];
	_ =	sdelay $0x3  }
0x33: {  	p0 =	seq.s32 s10, $0x1;
	s10 =	sld [smem:$0x3FB6];
	_ =	sdelay $0x3  }
0x34: {  	[smem:$0x3FB6] =	sst s10  }
0x35: {  	s10 =	sld [smem:$0x3FB5];
	_ =	sdelay $0x3  }
0x36: {  	p1 =	seq.s32 s10, $0x1;
	s10 =	sld [smem:$0x3FB6];
	_ =	sdelay $0x3  }
0x37: {  	[smem:$0x3FB6] =	sst s10  }
0x38: {  	s10 =	sld [smem:$0x3FB7]  }
0x39: {  	_ = 	snop;
	(pc) =	sbr.ind lr, $3  }
0x3a: {  	_ = 	snop  }
0x3b: {  	_ = 	snop  }
0x3c: {  	p2 =	seq.s32 s10, $0x1;
	s10 =	sld [smem:$0x3FB6]  }
0x3d: {  	_ =	shalt  }
0x3e: {  	_ =	shalt  }
0x3f: {  	_ =	shalt  }
0x40: {  	_ =	shalt  }
0x41: {  	_ =	shalt  }
0x42: {  	_ =	shalt  }
0x43: {  	_ =	shalt  }
0x44: {  	_ =	shalt  }
0x45: {  	_ =	shalt  }
0x46: {  	_ =	shalt  }
0x47: {  	_ =	shalt  }
0x48: {  	_ =	shalt  }
0x49: {  	_ =	shalt  }
0x4a: {  	_ =	shalt  }
0x4b: {  	_ =	shalt  }
0x4c: {  	_ =	shalt  }
0x4d: {  	_ =	shalt  }
0x4e: {  	_ =	shalt  }
0x4f: {  	_ =	shalt  }
0x50: {  	_ =	shalt  }
0x51: {  	_ =	shalt  }
0x52: {  	_ =	shalt  }
0x53: {  	_ =	shalt  }
0x54: {  	_ =	shalt  }
0x55: {  	_ =	shalt  }
0x56: {  	_ =	shalt  }
0x57: {  	_ =	shalt  }
0x58: {  	_ =	shalt  }
0x59: {  	_ =	shalt  }
0x5a: {  	_ =	shalt  }
0x5b: {  	_ =	shalt  }
0x5c: {  	_ =	shalt  }
0x5d: {  	_ =	shalt  }
0x5e: {  	_ =	shalt  }
0x5f: {  	_ =	shalt  }
0x60: {  	_ =	shalt  }
0x61: {  	_ =	shalt  }
0x62: {  	_ =	shalt  }
0x63: {  	_ =	shalt  }
0x64: {  	_ =	shalt  }
0x65: {  	_ =	shalt  }
0x66: {  	_ =	shalt  }
0x67: {  	_ =	shalt  }
0x68: {  	_ =	shalt  }
0x69: {  	_ =	shalt  }
0x6a: {  	_ =	shalt  }
0x6b: {  	_ =	shalt  }
0x6c: {  	_ =	shalt  }
0x6d: {  	_ =	shalt  }
0x6e: {  	_ =	shalt  }
0x6f: {  	_ =	shalt  }
0x70: {  	_ =	shalt  }
0x71: {  	_ =	shalt  }
0x72: {  	_ =	shalt  }
0x73: {  	_ =	shalt  }
0x74: {  	_ =	shalt  }
0x75: {  	_ =	shalt  }
0x76: {  	_ =	shalt  }
0x77: {  	_ =	shalt  }
0x78: {  	_ =	shalt  }
0x79: {  	_ =	shalt  }
0x7a: {  	_ =	shalt  }
0x7b: {  	_ =	shalt  }
0x7c: {  	_ =	shalt  }
0x7d: {  	_ =	shalt  }
0x7e: {  	_ =	shalt  }
0x7f: {  	_ =	shalt  }
0x80: {  	_ =	shalt  }
0x81: {  	_ =	shalt  }
0x82: {  	_ =	shalt  }
0x83: {  	_ =	shalt  }
0x84: {  	_ =	shalt  }
0x85: {  	_ =	shalt  }
0x86: {  	_ =	shalt  }
0x87: {  	_ =	shalt  }
.Lfunc_end0:
.L_simem_size_0:
called_computation_lowered:
.L_overlay_start_0:
0x88: {  	s2 =	sld [smem:$0x3FD9]  }
0x89: {  	s3 =	sld [smem:$0x3FFE];
	_ =	sdelay $0x1  }
0x8a: {  	s1 =	srdreg.scid  }
0x8b: {  	s0 =	sand.u32 $0x1, s1  }
0x8c: {  	s16 =	sshll.u32 s0, $0xA;
	s2 =	sadd.s32 s3, s2  }
0x8d: {  	s2 =	sadd.s32 s2, s16  }
0x8e: {  	[smem:$0x3FC2] =	sst s2  }
0x8f: {  	_ = 	snop  }
0x90: {  	(tm) =	ssettm $0x1  }
0x91: {  	s17 =	sld [smem:$0x3FFB];
	_ =	sdelay $0x3  }
0x92: {  	_ =	strace s17  }
0x93: {  	s2 =	sld [smem:$0x3FFC];
	_ =	sdelay $0x3  }
0x94: {  	_ =	strace s2  }
0x95: {  	s2 =	sld [smem:$0x3FFD];
	_ =	sdelay $0x3  }
0x96: {  	_ =	strace s2  }
0x97: {  	_ =	strace $0x8FFFFFFF  }
0x98: {  	s18 =	sld [smem:$0x3FDB];
	_ =	sdelay $0x1  }
0x99: {  	s19 =	simm.s32 $_scs_section_size  }
0x9a: {  	s4 =	simm.s32 $_size__tile_overlayer_lowered;
	s5 =	simm.s32 $_tile_overlayer_lowered  }
0x9b: {  	s22 =	simm.s32 $0x1BFF;
	s21 =	sshll.u32 s5, $0x1;
	s2 =	sadd.s32 s19, s18  }
0x9c: {  	s6 =	simm.s32 $0x0;
	s20 =	sshll.u32 s4, $0x1;
	s4 =	sadd.s32 s21, s2  }
0x9d: {  	[timem:s6], [sflag:s22] =	dma.local [hbm:s4], s20  }
0x9e: {  	_ =	swait.ge [sflag:s22], s20  }
0x9f: {  	s3 =	ssub.s32 $0x0, s20;
	[sflag:s22] =	ssyncset.done $0x0  }
0xa0: {  	[sflag:s22] =	ssyncadd.s32 s3;
	_ =	sdelay $0x1  }
0xa1: {  	s23 =	simm.s32 $0x1B8B  }
0xa2: {  	_ =	swait.ge [sflag:s23], $0x1  }
0xa3: {  	[sflag:s23] =	ssyncset.done $0x0  }
0xa4: {  	s25 =	simm.s32 $0x1B8E;
	s24 =	sld [smem:$0x3FFE];
	[sflag:s23] =	ssyncadd.s32 $0xFFFFFFFF  }
0xa5: {  	s26 =	simm.s32 $execute0_lowered;
	[smem:$0x3FD2] =	sst s25  }
0xa6: {  	s4 =	sshll.u32 s26, $0x1;
	_ =	strace $0x80000046;
	[dreg:$0x1] =	wrdreg $0xFFFFFFFF  }
0xa7: {  	s28 =	simm.s32 $_size_execute0_lowered;
	s2 =	sadd.s32 s2, s4;
	[dreg:$0x0] =	wrdreg $0x0  }
0xa8: {  	s4 =	sshll.u32 s28, $0x1;
	[dreg:$0x2] =	wrdreg s2  }
0xa9: {  	[dreg:$0x3] =	wrdreg s4  }
0xaa: {  	[dreg:$0x4] =	wrdreg $0xC0  }
0xab: {  	_ =	task [dreg:s6], $0x5FFFF  }
0xac: {  	[dreg:$0x1] =	wrdreg $0xFFFFFFFF  }
0xad: {  	[dreg:$0x0] =	wrdreg $0x60  }
0xae: {  	[dreg:$0x2] =	wrdreg s24  }
0xaf: {  	[dreg:$0x3] =	wrdreg $0x7A000  }
0xb0: {  	[dreg:$0x4] =	wrdreg $0x9  }
0xb1: {  	_ =	task.clear_ibuf [dreg:s6], $0x5FFFF;
	_ =	strace $0x90000046  }
0xb2: {  	s29 =	simm.s32 $0x9;
	_ =	strace $0x80000048  }
0xb3: {  	_ =	swait.ge [sflag:s29], $0x1  }
0xb4: {  	[sflag:s29] =	ssyncadd.s32 $0xFFFFFFFF  }
0xb5: {  	_ =	strace $0x90000048  }
0xb6: {  	_ =	sfence  }
0xb7: {  	s30 =	sld [smem:$0x0];
	_ =	sdelay $0x2  }
0xb8: {  	s31 =	sshll.u32 s1, $0xD;
	s1 =	sshrl.u32 s1, $0x2  }
0xb9: {  	s3 =	sand.u32 $0x4000, s31;
	s1 =	sadd.s32 s1, s30  }
0xba: {  	s0 =	sor.u32 s3, s0;
	s1 =	sshll.u32 s1, $0x11  }
0xbb: {  	s0 =	sor.u32 s1, s0  }
0xbc: {  	s0 =	sadd.s32 $0x8F2B, s0  }
0xbd: {  	[sflag:s0] =	ssyncadd.remote.s32 $0x1  }
0xbe: {  	_ =	sfence.sel $0xFFFF  }
0xbf: {  	[dreg:$0x0] =	wrdreg $0xFFFFFFFF;
	(pc) =	sbr.abs _section_cstart, $3  }
0xc0: {  	[dreg:$0x1] =	wrdreg $0xFFFFFFFF  }
0xc1: {  	_ =	task.clear_ibuf [dreg:s6], $0x2FFFF;
	_ =	strace $0x9FFFFFFF  }
0xc2: {  	(tm) =	ssettm $0x7FFFFFFF  }
0xc3: {  	_ =	shalt  }
tec
execute0_lowered:
.L_overlay_start_1:
0x0: {  	(tag) =	ssettag $0x1  }
0x1: {  	s3 =	rddreg [dreg:$0x0]  }
0x2: {  	s5 =	rddreg [dreg:$0x1]  }
0x3: {  	s0 =	rddreg [dreg:$0x2];
	s4 =	srdreg.scid  }
0x4: {  	s2 =	simm.s32 $0x0;
	s1 =	stileid.u32;
	s12 =	simm.s32 $0x1400  }
0x5: {  	s13 =	simm.s32 $0x14000;
	s14 =	simm.s32 $0x5200;
	s15 =	simm.s32 $0x100  }
0x6: {  	s16 =	simm.s32 $0x4F80;
	s4 =	sand.u32 $0x1, s4;
	[smem:$0x7FF] =	sst s2  }
0x7: {  	s7 =	smul.u32 $0x500, s1;
	s28 =	sshrl.u32 s1, $0x3;
	s9 =	sshll.u32 s1, $0x7  }
0x8: {  	s10 =	smul.u32 $0x5000, s1;
	s6 =	sshll.u32 s4, $0x4;
	_ =	strace $0x80000047  }
0x9: {  	s8 =	sshll.u32 s4, $0x7;
	s4 =	ssub.s32 $0x2, s4;
	s30 =	sand.u32 $0x380, s9  }
0xa: {  	s9 =	simm.s32 $0x2780;
	s6 =	sor.u32 s1, s6;
	s7 =	sor.u32 s8, s7  }
0xb: {  	s8 =	smul.u32 $0x50000, s28;
	s29 =	sshrl.u32 s4, $0x1;
	s31 =	sshrl.u32 s10, $0x2  }
0xc: {  	s10 =	simm.s32 $0x80;
	s6 =	smul.u32 $0x4E2, s6;
	s7 =	sshrl.u32 s7, $0x3  }
0xd: {  	s11 =	ssub.s32 s4, s29;
	s7 =	sadd.s32 s7, s3;
	s8 =	sshrl.u32 s8, $0x2  }
0xe: {  	s6 =	sadd.s32 s6, s3;
	s8 =	sadd.s32 s8, s5;
	s5 =	sadd.s32 s31, s5  }
0xf: {  	s3 =	sadd.s32 $0x2000, s6;
	s4 =	sadd.s32 s30, s8;
	s6 =	sadd.s32 $0x15C00, s7  }
0x10: {  	v0 =	vimm.f32 $0.0e+00;
	v1 =	vimm.f32 $1.000000000e+00;
	s7 =	smax.u32 s11, $0x1;
	s8 =	simm.s32 $0x1;
	s11 =	simm.s32 $0x400  }
.LBB2_1:
0x11: {  	s17 =	simm.s32 $0x40;
	s18 =	simm.s32 $0x0  }
.LBB2_2:
0x12: {  	p0 =	sne.s32 s17, $0x9FC0;
	[tilespmem:s18+$0x2780] =	vst v0;
	s18 =	smov.u32 s17;
	s17 =	sadd.s32 $0x40, s17  }
.Ltmp0:
0x13: {  	(pc) =	sbr.rel @p0 .LBB2_2-.Ltmp0, $2  }
0x14: {  	_ =	sdelay $0x2  }
0x15: {  	s18 =	sshra.s32 s18, $0x2  }
0x16: {  	[tilespmem:s18+$0x2780] =	vst v0;
	s17 =	simm.s32 $0x0  }
0x17: {  	[tilespmem:s17], [sflag:$0x1] =	stream.linear.gather [hbm4b:s3+s17], $0x2710, $0x38;
	[tilespmem:$0xA200] =	vst v63  }
0x18: {  	_ =	swait.ge [sflag:s8], $0x2710  }
0x19: {  	[sflag:s8] =	ssyncset.done $0x0  }
0x1a: {  	s18 =	simm.s32 $0x0;
	s17 =	simm.s32 $0x40;
	[sflag:s8] =	ssyncadd.s32 $0xFFFFD8F0  }
.LBB2_4:
0x1b: {  	p0 =	sne.s32 s17, $0x9C00;
	v2 =	vld [tilespmem:s18+$0x0];
	_ =	sdelay $0x3  }
.Ltmp1:
0x1c: {  	(pc) =	sbr.rel @p0 .LBB2_4-.Ltmp1, $2  }
0x1d: {  	_ =	sdelay $0x2  }
0x1e: {  	s18 =	sshra.s32 s17, $0x2;
	s17 =	sadd.s32 $0x40, s17;
	[tilespmem:v2+s9+$0x0] =	vst.idx.add.f32.msk $0xffff, v1  }
0x1f: {  	v2 =	vld [tilespmem:s18+$0x0];
	_ =	sdelay $0x7  }
0x20: {  	[tilespmem:v2+s9+$0x0] =	vst.idx.add.f32.msk $0xffff, v1  }
0x21: {  	[spmem:s4] =	stream.strided.scatter [tilespmem:s9], [sflag:$0x1], $0x2800, s11, s10, $0x38;
	[tilespmem:$0xA200] =	vst v63  }
0x22: {  	_ =	swait.ge [sflag:s8], $0x2800  }
0x23: {  	[sflag:s8] =	ssyncset.done $0x0  }
0x24: {  	[sflag:s8] =	ssyncadd.s32 $0xFFFFD800  }
0x25: {  	[bflag:$0x0] =	sbarrier.arrive $0xFFFF  }
0x26: {  	[tilespmem:s14], [sflag:$0x1] =	stream.strided.gather [spmem:s5], $0x2800, s13, s12, $0x38;
	[tilespmem:$0xA200] =	vst v63  }
0x27: {  	s17 =	simm.s32 $0x0;
	_ =	swait.ge [sflag:s8], $0x2800  }
0x28: {  	s30 =	sand.u32 $0x70, s17;
	s17 =	sand.u32 $0x1C00, s17;
	[sflag:s8] =	ssyncset.done $0x0  }
0x29: {  	s17 =	sor.u32 s30, s17;
	[sflag:s8] =	ssyncadd.s32 $0xFFFFD800  }
0x2a: {  	v2 =	vld [tilespmem:s17+$0x5280]  }
0x2b: {  	v3 =	vld [tilespmem:s17+$0x5200];
	_ =	sdelay $0x1  }
0x2c: {  	v4 =	vld [tilespmem:s17+$0x5300];
	_ =	sdelay $0x1  }
0x2d: {  	v5 =	vld [tilespmem:s17+$0x5380]  }
0x2e: {  	v2 =	vadd.f32 v2, v3  }
0x2f: {  	v3 =	vld [tilespmem:s17+$0x5400]  }
0x30: {  	v2 =	vadd.f32 v4, v2  }
0x31: {  	v56 =	vld [tilespmem:s17+$0x5480]  }
0x32: {  	v2 =	vadd.f32 v5, v2  }
0x33: {  	v57 =	vld [tilespmem:s17+$0x5500]  }
0x34: {  	v2 =	vadd.f32 v3, v2  }
0x35: {  	v3 =	vld [tilespmem:s17+$0x5580]  }
0x36: {  	v2 =	vadd.f32 v56, v2  }
0x37: {  	v58 =	vld [tilespmem:s17+$0x6600]  }
0x38: {  	v2 =	vadd.f32 v57, v2  }
0x39: {  	v59 =	vld [tilespmem:s17+$0x6680]  }
0x3a: {  	v2 =	vadd.f32 v3, v2  }
0x3b: {  	v3 =	vld [tilespmem:s17+$0x6700]  }
0x3c: {  	v2 =	vadd.f32 v58, v2  }
0x3d: {  	v60 =	vld [tilespmem:s17+$0x6780]  }
0x3e: {  	v2 =	vadd.f32 v59, v2  }
0x3f: {  	v61 =	vld [tilespmem:s17+$0x6800]  }
0x40: {  	v2 =	vadd.f32 v3, v2  }
0x41: {  	v3 =	vld [tilespmem:s17+$0x6880]  }
0x42: {  	v2 =	vadd.f32 v60, v2  }
0x43: {  	v62 =	vld [tilespmem:s17+$0x6900]  }
0x44: {  	v2 =	vadd.f32 v61, v2  }
0x45: {  	v63 =	vld [tilespmem:s17+$0x6980]  }
0x46: {  	v2 =	vadd.f32 v3, v2;
	_ =	sdelay $0x1  }
0x47: {  	v2 =	vadd.f32 v62, v2;
	_ =	sdelay $0x1  }
0x48: {  	s31 =	simm.s32 $0x10;
	s19 =	simm.s32 $0x80;
	v2 =	vadd.f32 v63, v2  }
0x49: {  	s18 =	sand.u32 $0x70, s31;
	s20 =	sand.u32 $0x1C00, s19;
	s17 =	simm.s32 $0x4F80  }
0x4a: {  	s18 =	sor.u32 s18, s20;
	s20 =	simm.s32 $0x20;
	[tilespmem:s17+$0x0] =	vst v2  }
.LBB2_6:
0x4b: {  	p0 =	sne.s32 s20, $0x270;
	v2 =	vld [tilespmem:s18+$0x5280]  }
0x4c: {  	v3 =	vld [tilespmem:s18+$0x5200];
	_ =	sdelay $0x1  }
0x4d: {  	v4 =	vld [tilespmem:s18+$0x5300];
	_ =	sdelay $0x1  }
0x4e: {  	v5 =	vld [tilespmem:s18+$0x5380]  }
0x4f: {  	v2 =	vadd.f32 v2, v3  }
0x50: {  	v3 =	vld [tilespmem:s18+$0x5400]  }
0x51: {  	v2 =	vadd.f32 v4, v2  }
0x52: {  	v4 =	vld [tilespmem:s18+$0x5480]  }
0x53: {  	v2 =	vadd.f32 v5, v2  }
0x54: {  	v5 =	vld [tilespmem:s18+$0x5500]  }
0x55: {  	v2 =	vadd.f32 v3, v2  }
0x56: {  	v3 =	vld [tilespmem:s18+$0x5580]  }
0x57: {  	v2 =	vadd.f32 v4, v2  }
0x58: {  	v4 =	vld [tilespmem:s18+$0x6600]  }
0x59: {  	v2 =	vadd.f32 v5, v2  }
0x5a: {  	v5 =	vld [tilespmem:s18+$0x6680]  }
0x5b: {  	v2 =	vadd.f32 v3, v2  }
0x5c: {  	v3 =	vld [tilespmem:s18+$0x6700]  }
0x5d: {  	v2 =	vadd.f32 v4, v2  }
0x5e: {  	v4 =	vld [tilespmem:s18+$0x6780]  }
0x5f: {  	v2 =	vadd.f32 v5, v2  }
0x60: {  	v5 =	vld [tilespmem:s18+$0x6800]  }
0x61: {  	v2 =	vadd.f32 v3, v2  }
0x62: {  	v3 =	vld [tilespmem:s18+$0x6880]  }
0x63: {  	v2 =	vadd.f32 v4, v2  }
0x64: {  	v4 =	vld [tilespmem:s18+$0x6900]  }
0x65: {  	v2 =	vadd.f32 v5, v2  }
0x66: {  	v5 =	vld [tilespmem:s18+$0x6980]  }
0x67: {  	v2 =	vadd.f32 v3, v2;
	_ =	sdelay $0x1  }
.Ltmp2:
0x68: {  	v2 =	vadd.f32 v4, v2;
	(pc) =	sbr.rel @p0 .LBB2_6-.Ltmp2, $4  }
0x69: {  	_ = 	snop  }
0x6a: {  	s19 =	sadd.s32 $0x80, s19;
	v2 =	vadd.f32 v5, v2  }
0x6b: {  	s17 =	sadd.s32 $0x10, s17;
	s21 =	sand.u32 $0x1C00, s19;
	s18 =	sand.u32 $0x70, s20  }
0x6c: {  	s20 =	sadd.s32 $0x10, s20;
	s18 =	sor.u32 s18, s21;
	[tilespmem:s17+$0x0] =	vst v2  }
0x6d: {  	v2 =	vld [tilespmem:s18+$0x5280]  }
0x6e: {  	v3 =	vld [tilespmem:s18+$0x5200];
	_ =	sdelay $0x1  }
0x6f: {  	v4 =	vld [tilespmem:s18+$0x5300];
	_ =	sdelay $0x1  }
0x70: {  	v5 =	vld [tilespmem:s18+$0x5380]  }
0x71: {  	v2 =	vadd.f32 v2, v3  }
0x72: {  	v3 =	vld [tilespmem:s18+$0x5400]  }
0x73: {  	v2 =	vadd.f32 v4, v2  }
0x74: {  	v56 =	vld [tilespmem:s18+$0x5480]  }
0x75: {  	v2 =	vadd.f32 v5, v2  }
0x76: {  	v57 =	vld [tilespmem:s18+$0x5500]  }
0x77: {  	v2 =	vadd.f32 v3, v2  }
0x78: {  	v3 =	vld [tilespmem:s18+$0x5580]  }
0x79: {  	v2 =	vadd.f32 v56, v2  }
0x7a: {  	v58 =	vld [tilespmem:s18+$0x6600]  }
0x7b: {  	v2 =	vadd.f32 v57, v2  }
0x7c: {  	v59 =	vld [tilespmem:s18+$0x6680]  }
0x7d: {  	v2 =	vadd.f32 v3, v2  }
0x7e: {  	v3 =	vld [tilespmem:s18+$0x6700]  }
0x7f: {  	v2 =	vadd.f32 v58, v2  }
0x80: {  	v60 =	vld [tilespmem:s18+$0x6780]  }
0x81: {  	v2 =	vadd.f32 v59, v2  }
0x82: {  	v61 =	vld [tilespmem:s18+$0x6800]  }
0x83: {  	v2 =	vadd.f32 v3, v2  }
0x84: {  	v3 =	vld [tilespmem:s18+$0x6880]  }
0x85: {  	v2 =	vadd.f32 v60, v2  }
0x86: {  	v62 =	vld [tilespmem:s18+$0x6900]  }
0x87: {  	v2 =	vadd.f32 v61, v2  }
0x88: {  	v63 =	vld [tilespmem:s18+$0x6980]  }
0x89: {  	v2 =	vadd.f32 v3, v2;
	_ =	sdelay $0x1  }
0x8a: {  	v2 =	vadd.f32 v62, v2;
	_ =	sdelay $0x1  }
0x8b: {  	s2 =	sadd.s32 $0x1, s2;
	v2 =	vadd.f32 v63, v2  }
0x8c: {  	s17 =	sadd.s32 $0x10, s17;
	p0 =	sne.s32 s2, s7  }
.Ltmp3:
0x8d: {  	[tilespmem:s17+$0x0] =	vst v2;
	(pc) =	sbr.rel @p0 .LBB2_1-.Ltmp3, $4  }
0x8e: {  	[hbm4b:s6+s10] =	stream.strided.scatter [tilespmem:s16], [sflag:$0x1], $0x280, s15, s10, $0x38;
	[tilespmem:$0xA200] =	vst v63  }
0x8f: {  	_ =	swait.ge [sflag:s8], $0x280  }
0x90: {  	[sflag:s8] =	ssyncset.done $0x0  }
0x91: {  	[sflag:s8] =	ssyncadd.s32 $0xFFFFFD80  }
0x92: {  	_ =	sfence.sel $0x180000  }
0x93: {  	[bflag:$0x0] =	sbarrier.arrive $0xFFFF  }
0x94: {  	p0 =	sne.s32 s1, $0x0;
	_ =	strace $0x90000047  }
0x95: {  	s0 =	sadd.s32 @!p0 $0x100000, s0;
	[bflag:$0x2] =	sbarrier.arrive $0xFFFF  }
0x96: {  	[sflag:s0] =	ssyncadd.tile.s32 @!p0 $0x1;
	_ =	shalt  }
.Lfunc_end2:
_tile_overlayer_lowered:
.L_overlay_start_2:
0x97: {  	(tag) =	ssettag $0x2  }
0x98: {  	s0 =	rddreg [dreg:$0x0];
	s2 =	stileid.u32  }
0x99: {  	s1 =	rddreg [dreg:$0x1];
	p0 =	sne.s32 s2, $0x0  }
0x9a: {  	s3 =	rddreg [dreg:$0x2];
	[bflag:$0x3] =	sbarrier.arrive $0xFFFF;
	s2 =	simm.s32 @!p0 $0x1C01  }
0x9b: {  	[timem:s3], [sflag:s2] =	dma.local @!p0 [hbm:s0], s1  }
0x9c: {  	s0 =	simm.s32 @!p0 $0x1  }
0x9d: {  	_ =	swait.ge @!p0 [sflag:s0], s1  }
0x9e: {  	s1 =	ssub.s32 @!p0 $0x0, s1;
	[sflag:s0] =	ssyncset.done @!p0 $0x0  }
0x9f: {  	[sflag:s0] =	ssyncadd.s32 @!p0 s1  }
0xa0: {  	[bflag:$0x3] =	sbarrier.arrive $0xFFFF  }
0xa1: {  	_ =	shalt  }

</sc_bundles>
